<compile_context>
chip_gen: v7x
topology: tpu7x:2x2x1
jax: 0.10.2.dev20260603
libtpu: 0.0.44.dev20260713+nightly
codegen_flags: <defaults>
</compile_context>

<pallas_src>
import functools

import jax
import jax.numpy as jnp
from jax import lax
from jax.experimental import pallas as pl
from jax.experimental.pallas import tpu as pltpu
from jax.experimental.pallas import tpu_sc as plsc

N = 10000
E = 320000
D = 128
H = 128

NC = 2
NS = 16
NW = NC * NS
EPW = E // NW
CH = 80
NCHUNK = EPW // CH
RPT = N // NS
RQ = 125
NQ = RPT // RQ
ZR = 25
NZQ = RPT // ZR

BN = 512
BE = 1280


def _prep_body(nf_ref, w_ref, out_ref):
    out_ref[...] = jnp.dot(nf_ref[...], w_ref[...],
                           preferred_element_type=jnp.float32)


def _tc_prep(nf, w1_nf):
    return pl.pallas_call(
        _prep_body,
        grid=(pl.cdiv(N, BN),),
        in_specs=[
            pl.BlockSpec((BN, D), lambda i: (i, 0)),
            pl.BlockSpec((D, H), lambda i: (0, 0)),
        ],
        out_specs=pl.BlockSpec((BN, H), lambda i: (i, 0)),
        out_shape=jax.ShapeDtypeStruct((N, H), jnp.float32),
    )(nf, w1_nf)


_sc_mesh = plsc.VectorSubcoreMesh(core_axis_name="c", subcore_axis_name="s")
_sc_params = pltpu.CompilerParams(use_tc_tiling_on_sc=False)


@functools.partial(
    pl.kernel,
    mesh=_sc_mesh,
    compiler_params=_sc_params,
    out_type=[
        jax.ShapeDtypeStruct((E, H), jnp.float32),
        jax.ShapeDtypeStruct((E, H), jnp.float32),
        jax.ShapeDtypeStruct((E,), jnp.float32),
    ],
    scratch_types=[
        pltpu.VMEM((CH,), jnp.int32), pltpu.VMEM((CH,), jnp.int32),
        pltpu.VMEM((CH,), jnp.int32), pltpu.VMEM((CH,), jnp.int32),
        pltpu.VMEM((CH, H), jnp.float32), pltpu.VMEM((CH, H), jnp.float32),
        pltpu.VMEM((CH, H), jnp.float32), pltpu.VMEM((CH, H), jnp.float32),
        pltpu.VMEM((CH, 16), jnp.float32), pltpu.VMEM((CH, 16), jnp.float32),
        pltpu.VMEM((CH, 16), jnp.float32), pltpu.VMEM((CH, 16), jnp.float32),
        pltpu.VMEM((CH,), jnp.float32), pltpu.VMEM((CH,), jnp.float32),
        pltpu.SemaphoreType.DMA, pltpu.SemaphoreType.DMA,
        pltpu.SemaphoreType.DMA, pltpu.SemaphoreType.DMA,
    ],
)
def _sc_gather(p_hbm, pos_hbm, row_hbm, col_hbm,
               gcol_hbm, grow_hbm, rdsq_hbm,
               idxr0, idxc0, idxr1, idxc1,
               gc0, gr0, gc1, gr1,
               pr0, pc0, pr1, pc1, ef0, ef1,
               semg0, semg1, semw0, semw1):
    cid = lax.axis_index("c")
    sid = lax.axis_index("s")
    base0 = (cid * NS + sid) * EPW
    lanes = lax.broadcasted_iota(jnp.int32, (16,), 0)

    bufA = (idxr0, idxc0, gc0, gr0, pr0, pc0, ef0, semg0, semw0)
    bufB = (idxr1, idxc1, gc1, gr1, pr1, pc1, ef1, semg1, semw1)

    def start(i, buf):
        idxr, idxc, gc, gr, pr, pc, ef, semg, _ = buf
        b = base0 + i * CH
        pltpu.sync_copy(row_hbm.at[pl.ds(b, CH)], idxr)
        pltpu.sync_copy(col_hbm.at[pl.ds(b, CH)], idxc)
        pltpu.async_copy(p_hbm.at[idxc], gc, semg)
        pltpu.async_copy(p_hbm.at[idxr], gr, semg)
        pltpu.async_copy(pos_hbm.at[idxr], pr, semg)
        pltpu.async_copy(pos_hbm.at[idxc], pc, semg)

    def wait_g(buf):
        idxr, idxc, gc, gr, pr, pc, ef, semg, _ = buf
        pltpu.make_async_copy(p_hbm.at[idxc], gc, semg).wait()
        pltpu.make_async_copy(p_hbm.at[idxr], gr, semg).wait()
        pltpu.make_async_copy(pos_hbm.at[idxr], pr, semg).wait()
        pltpu.make_async_copy(pos_hbm.at[idxc], pc, semg).wait()

    def compute(buf):
        _, _, _, _, pr, pc, ef, _, _ = buf

        def grp(gi, c2):
            def rowf(j, vec):
                r = gi * 16 + j
                d = pr[r, pl.ds(0, 16)] - pc[r, pl.ds(0, 16)]
                sq = d * d
                s = sq[0] + sq[1] + sq[2]
                return jnp.where(lanes == j, s, vec)

            vec = lax.fori_loop(0, 16, rowf, jnp.zeros((16,), jnp.float32))
            ef[pl.ds(gi * 16, 16)] = vec
            return c2

        lax.fori_loop(0, CH // 16, grp, 0)

    def start_w(i, buf):
        _, _, gc, gr, _, _, ef, _, semw = buf
        b = base0 + i * CH
        pltpu.async_copy(gc, gcol_hbm.at[pl.ds(b, CH)], semw)
        pltpu.async_copy(gr, grow_hbm.at[pl.ds(b, CH)], semw)
        pltpu.async_copy(ef, rdsq_hbm.at[pl.ds(b, CH)], semw)

    def drain_w(buf):
        _, _, gc, gr, _, _, ef, _, semw = buf
        pltpu.make_async_copy(gc, gcol_hbm.at[pl.ds(0, CH)], semw).wait()
        pltpu.make_async_copy(gr, grow_hbm.at[pl.ds(0, CH)], semw).wait()
        pltpu.make_async_copy(ef, rdsq_hbm.at[pl.ds(0, CH)], semw).wait()

    start(0, bufA)

    def body2(g, carry):
        @pl.when(g > 0)
        def _():
            drain_w(bufB)

        start(2 * g + 1, bufB)
        wait_g(bufA)
        compute(bufA)
        start_w(2 * g, bufA)
        wait_g(bufB)
        compute(bufB)
        start_w(2 * g + 1, bufB)
        drain_w(bufA)
        start(2 * g + 2, bufA)
        return carry

    lax.fori_loop(0, NCHUNK // 2, body2, 0)
    drain_w(bufB)
    wait_g(bufA)
    compute(bufA)
    start_w(NCHUNK - 1, bufA)
    drain_w(bufA)


def _silu(x):
    return x * jax.nn.sigmoid(x)


def _msg_body(gcol_ref, grow_ref, ef_ref, rdsq_ref,
              wtail_ref, w1l_ref, b1_ref, w2_ref, b2_ref,
              mr_ref, mc_ref):
    rd = rdsq_ref[...]
    et = (jnp.dot(ef_ref[...], wtail_ref[...],
                  preferred_element_type=jnp.float32)
          + rd * w1l_ref[...] + b1_ref[...])
    w2b = w2_ref[...].astype(jnp.bfloat16)
    hr = _silu(gcol_ref[...] + et).astype(jnp.bfloat16)
    mr_ref[...] = _silu(jnp.dot(hr, w2b,
                                preferred_element_type=jnp.float32)
                        + b2_ref[...])
    hc = _silu(grow_ref[...] + et).astype(jnp.bfloat16)
    mc_ref[...] = _silu(jnp.dot(hc, w2b,
                                preferred_element_type=jnp.float32)
                        + b2_ref[...])


def _tc_msg(gcol, grow, ef, rdsq, wtail, w1l, b1, w2, b2):
    full = lambda r, c: pl.BlockSpec((r, c), lambda i: (0, 0))
    return pl.pallas_call(
        _msg_body,
        grid=(E // BE,),
        in_specs=[
            pl.BlockSpec((BE, H), lambda i: (i, 0)),
            pl.BlockSpec((BE, H), lambda i: (i, 0)),
            pl.BlockSpec((BE, 16), lambda i: (i, 0)),
            pl.BlockSpec((BE, 1), lambda i: (i, 0)),
            full(16, H), full(1, H), full(1, H), full(H, H), full(1, H),
        ],
        out_specs=[
            pl.BlockSpec((BE, H), lambda i: (i, 0)),
            pl.BlockSpec((BE, H), lambda i: (i, 0)),
        ],
        out_shape=[
            jax.ShapeDtypeStruct((E, H), jnp.float32),
            jax.ShapeDtypeStruct((E, H), jnp.float32),
        ],
    )(gcol, grow, ef, rdsq, wtail, w1l, b1, w2, b2)


@functools.partial(
    pl.kernel,
    mesh=_sc_mesh,
    compiler_params=_sc_params,
    out_type=[
        jax.ShapeDtypeStruct((2 * N, H), jnp.float32),
    ],
    scratch_types=[
        pltpu.VMEM_SHARED((N, H), jnp.float32),
        pltpu.VMEM((ZR, H), jnp.float32),
        pltpu.VMEM((CH,), jnp.int32), pltpu.VMEM((CH,), jnp.int32),
        pltpu.VMEM((CH,), jnp.int32), pltpu.VMEM((CH,), jnp.int32),
        pltpu.VMEM((CH, H), jnp.float32), pltpu.VMEM((CH, H), jnp.float32),
        pltpu.VMEM((CH, H), jnp.float32), pltpu.VMEM((CH, H), jnp.float32),
        pltpu.SemaphoreType.DMA, pltpu.SemaphoreType.DMA,
    ],
)
def _sc_scatter(mr_hbm, mc_hbm, row_hbm, col_hbm,
                part_hbm,
                acc_sh, zbuf_v,
                ir0, ic0, ir1, ic1, mr0, mc0, mr1, mc1, sem0, sem1):
    cid = lax.axis_index("c")
    sid = lax.axis_index("s")
    base0 = (cid * NS + sid) * EPW

    def zb(r, carry):
        for k in range(H // 16):
            zbuf_v[r, pl.ds(k * 16, 16)] = jnp.zeros((16,), jnp.float32)
        return carry

    lax.fori_loop(0, ZR, zb, 0)

    def zc(q, carry):
        pltpu.sync_copy(zbuf_v, acc_sh.at[pl.ds(sid * RPT + q * ZR, ZR), :])
        return carry

    lax.fori_loop(0, NZQ, zc, 0)
    plsc.subcore_barrier()

    bufA = (ir0, ic0, mr0, mc0, sem0)
    bufB = (ir1, ic1, mr1, mc1, sem1)

    def start(i, buf):
        ir, ic, mrv, mcv, sem = buf
        b = base0 + i * CH
        pltpu.async_copy(row_hbm.at[pl.ds(b, CH)], ir, sem)
        pltpu.async_copy(col_hbm.at[pl.ds(b, CH)], ic, sem)
        pltpu.async_copy(mr_hbm.at[pl.ds(b, CH)], mrv, sem)
        pltpu.async_copy(mc_hbm.at[pl.ds(b, CH)], mcv, sem)

    def finish(buf):
        ir, ic, mrv, mcv, sem = buf
        pltpu.make_async_copy(row_hbm.at[pl.ds(0, CH)], ir, sem).wait()
        pltpu.make_async_copy(col_hbm.at[pl.ds(0, CH)], ic, sem).wait()
        pltpu.make_async_copy(mr_hbm.at[pl.ds(0, CH)], mrv, sem).wait()
        pltpu.make_async_copy(mc_hbm.at[pl.ds(0, CH)], mcv, sem).wait()
        pltpu.sync_copy(mrv, acc_sh.at[ir], add=True)
        pltpu.sync_copy(mcv, acc_sh.at[ic], add=True)

    start(0, bufA)

    def body2(g, carry):
        start(2 * g + 1, bufB)
        finish(bufA)
        start(2 * g + 2, bufA)
        finish(bufB)
        return carry

    lax.fori_loop(0, NCHUNK // 2, body2, 0)
    finish(bufA)
    plsc.subcore_barrier()

    for q in range(NQ):
        r0 = sid * RPT + q * RQ
        pltpu.sync_copy(acc_sh.at[pl.ds(r0, RQ), :],
                        part_hbm.at[pl.ds(cid * N + r0, RQ), :])


def _upd_body(nf_ref, p0_ref, p1_ref,
              u1a_ref, u1b_ref, ub1_ref, uw2_ref, ub2_ref, g_ref, bb_ref,
              out_ref):
    nf = nf_ref[...]
    agg = p0_ref[...] + p1_ref[...]
    h = _silu(jnp.dot(nf, u1a_ref[...], preferred_element_type=jnp.float32)
              + jnp.dot(agg, u1b_ref[...], preferred_element_type=jnp.float32)
              + ub1_ref[...])
    upd = jnp.dot(h, uw2_ref[...],
                  preferred_element_type=jnp.float32) + ub2_ref[...]
    x = nf + upd
    mu = jnp.mean(x, axis=-1, keepdims=True)
    var = jnp.mean((x - mu) ** 2, axis=-1, keepdims=True)
    out_ref[...] = (x - mu) * lax.rsqrt(var + 1e-5) * g_ref[...] + bb_ref[...]


def _tc_update(nf, p0, p1, u1a, u1b, ub1, uw2, ub2, g, bb):
    full = lambda r, c: pl.BlockSpec((r, c), lambda i: (0, 0))
    return pl.pallas_call(
        _upd_body,
        grid=(pl.cdiv(N, BN),),
        in_specs=[
            pl.BlockSpec((BN, D), lambda i: (i, 0)),
            pl.BlockSpec((BN, H), lambda i: (i, 0)),
            pl.BlockSpec((BN, H), lambda i: (i, 0)),
            full(D, H), full(H, H), full(1, H), full(H, D), full(1, D),
            full(1, D), full(1, D),
        ],
        out_specs=pl.BlockSpec((BN, D), lambda i: (i, 0)),
        out_shape=jax.ShapeDtypeStruct((N, D), jnp.float32),
    )(nf, p0, p1, u1a, u1b, ub1, uw2, ub2, g, bb)


def kernel(node_features, edge_features, positions,
           msg_w1, msg_b1, msg_w2, msg_b2,
           upd_w1, upd_b1, upd_w2, upd_b2,
           ln_g, ln_b, edge_index):
    row = edge_index[0].astype(jnp.int32)
    col = edge_index[1].astype(jnp.int32)

    w1_nf = msg_w1[:D]
    wtail = jnp.zeros((16, H), jnp.float32).at[3:16].set(msg_w1[D:D + 13])
    w1l = msg_w1[141:142]
    b1 = msg_b1[None]
    b2 = msg_b2[None]
    u1a = upd_w1[:D]
    u1b = upd_w1[D:]
    ub1 = upd_b1[None]
    ub2 = upd_b2[None]
    g = ln_g[None]
    bb = ln_b[None]

    pos16 = jnp.pad(positions, ((0, 0), (0, 13)))

    p = _tc_prep(node_features, w1_nf)
    gcol, grow, rdsq = _sc_gather(p, pos16, row, col)
    mr, mc = _tc_msg(gcol, grow, edge_features, rdsq.reshape(E, 1),
                     wtail, w1l, b1, msg_w2, b2)
    part, = _sc_scatter(mr, mc, row, col)
    return _tc_update(node_features, part[:N], part[N:],
                      u1a, u1b, ub1, upd_w2, ub2, g, bb)

# --- scband reference (transcript-rebuilt; emitter-appended) ---
"""Pipeline reference for scband-edge-to-node-message-passing-39109972197651 (READ-ONLY COPY).

The authoritative reference and input builder live on the scoring server;
editing this copy changes nothing except your own understanding.
"""

import jax, jax.numpy as jnp
import numpy as np

N = 10000
E = 320000
D = 128   # node_dim
ED = 16   # edge_dim
H = 128   # hidden_dim


def _xavier(key, fan_in, fan_out):
    limit = float(np.sqrt(6.0 / (fan_in + fan_out)))
    return jax.random.uniform(key, (fan_in, fan_out), minval=-limit, maxval=limit, dtype=jnp.float32)


def setup_inputs(seed: int = 0) -> dict:
    key = jax.random.key(seed)
    ks = jax.random.split(key, 12)
    node_features = jax.random.normal(ks[0], (N, D), dtype=jnp.float32)
    edge_features = jax.random.normal(ks[1], (E, ED), dtype=jnp.float32)
    edge_index = jax.random.randint(ks[2], (2, E), 0, N, dtype=jnp.int64)
    positions = jax.random.normal(ks[3], (N, 3), dtype=jnp.float32)
    # message_net: Linear(D + (ED-3) + 1, H) -> SiLU -> Linear(H, H) -> SiLU
    msg_in = D + (ED - 3) + 1
    msg_w1 = _xavier(ks[4], msg_in, H)
    msg_b1 = jnp.zeros((H,), dtype=jnp.float32)
    msg_w2 = _xavier(ks[5], H, H)
    msg_b2 = jnp.zeros((H,), dtype=jnp.float32)
    # update_net: Linear(D + H, H) -> SiLU -> Linear(H, D)
    upd_w1 = _xavier(ks[6], D + H, H)
    upd_b1 = jnp.zeros((H,), dtype=jnp.float32)
    upd_w2 = _xavier(ks[7], H, D)
    upd_b2 = jnp.zeros((D,), dtype=jnp.float32)
    # node LayerNorm params
    ln_g = jnp.ones((D,), dtype=jnp.float32)
    ln_b = jnp.zeros((D,), dtype=jnp.float32)
    return {
        "node_features": node_features,
        "edge_features": edge_features,
        "positions": positions,
        "msg_w1": msg_w1, "msg_b1": msg_b1, "msg_w2": msg_w2, "msg_b2": msg_b2,
        "upd_w1": upd_w1, "upd_b1": upd_b1, "upd_w2": upd_w2, "upd_b2": upd_b2,
        "ln_g": ln_g, "ln_b": ln_b,
        "edge_index": edge_index,
    }


def _message_net(x, w1, b1, w2, b2):
    h = jax.nn.silu(x @ w1 + b1)
    h = jax.nn.silu(h @ w2 + b2)
    return h


def _layernorm(x, g, b, eps=1e-5):
    mu = jnp.mean(x, axis=-1, keepdims=True)
    var = jnp.mean((x - mu) ** 2, axis=-1, keepdims=True)
    return (x - mu) / jnp.sqrt(var + eps) * g + b


def reference(node_features, edge_features, positions,
              msg_w1, msg_b1, msg_w2, msg_b2,
              upd_w1, upd_b1, upd_w2, upd_b2,
              ln_g, ln_b, edge_index):
    row = edge_index[0]
    col = edge_index[1]
    relative_pos = positions[row] - positions[col]
    relative_dist_sq = jnp.sum(relative_pos ** 2, axis=-1, keepdims=True)
    edge_feat_tail = edge_features[:, 3:]
    msg_in_row = jnp.concatenate([node_features[col], edge_feat_tail, relative_dist_sq], axis=-1)
    messages_to_row = _message_net(msg_in_row, msg_w1, msg_b1, msg_w2, msg_b2)
    msg_in_col = jnp.concatenate([node_features[row], edge_feat_tail, relative_dist_sq], axis=-1)
    messages_to_col = _message_net(msg_in_col, msg_w1, msg_b1, msg_w2, msg_b2)
    num_nodes = node_features.shape[0]
    aggregated = jnp.zeros((num_nodes, H), dtype=node_features.dtype)
    aggregated = aggregated.at[row].add(messages_to_row)
    aggregated = aggregated.at[col].add(messages_to_col)
    node_input = jnp.concatenate([node_features, aggregated], axis=-1)
    h = jax.nn.silu(node_input @ upd_w1 + upd_b1)
    updated = h @ upd_w2 + upd_b2
    out = _layernorm(node_features + updated, ln_g, ln_b)
    return out

if __name__ == "__main__":
    import jax
    _d = setup_inputs()
    print(jax.jit(kernel)(*tuple(_d.values())))

</pallas_src>

<mosaic_0001>
#map = affine_map<(d0, d1) -> (0, 0)>
#map1 = affine_map<(d0, d1) -> (0)>
module attributes {stable_mosaic.version = 14 : i64} {
  func.func @_sc_scatter(%arg0: i32, %arg1: i32, %arg2: memref<320000x128xf32, #tpu.memory_space<hbm>>, %arg3: memref<320000x128xf32, #tpu.memory_space<hbm>>, %arg4: memref<320000xi32, #tpu.memory_space<hbm>>, %arg5: memref<320000xi32, #tpu.memory_space<hbm>>, %arg6: memref<20000x128xf32, #tpu.memory_space<hbm>>, %arg7: memref<10000x128xf32, #tpu.memory_space<vmem_shared>>, %arg8: memref<25x128xf32, #tpu.memory_space<vmem>>, %arg9: memref<80xi32, #tpu.memory_space<vmem>>, %arg10: memref<80xi32, #tpu.memory_space<vmem>>, %arg11: memref<80xi32, #tpu.memory_space<vmem>>, %arg12: memref<80xi32, #tpu.memory_space<vmem>>, %arg13: memref<80x128xf32, #tpu.memory_space<vmem>>, %arg14: memref<80x128xf32, #tpu.memory_space<vmem>>, %arg15: memref<80x128xf32, #tpu.memory_space<vmem>>, %arg16: memref<80x128xf32, #tpu.memory_space<vmem>>, %arg17: memref<!tpu.dma_semaphore, #tpu.memory_space<semaphore_mem>>, %arg18: memref<!tpu.dma_semaphore, #tpu.memory_space<semaphore_mem>>) attributes {dimension_semantics = [#tpu.dimension_semantics<core_parallel>, #tpu.dimension_semantics<subcore_parallel>], iteration_bounds = array<i64: 2, 16>, scalar_prefetch = 0 : i64, scratch_operands = 12 : i64, tpu.core_type = #tpu.core_type<sc_vector_subcore>, window_params = [{transform_indices = #map}, {transform_indices = #map}, {transform_indices = #map1}, {transform_indices = #map1}, {transform_indices = #map}]} {
    %mul3A = arith.constant 16 : i32
    %mul3A_0 = arith.muli %arg0, %mul3A : i32
    %add3A = arith.addi %mul3A_0, %arg1 : i32
    %mul3A_1 = arith.constant 10000 : i32
    %mul3A_2 = arith.muli %add3A, %mul3A_1 : i32
    %scan3A = arith.constant 0 : i32
    %scan3A_3 = arith.constant 0 : i32
    %scan3A_4 = arith.constant 25 : i32
    %scan3A_5 = arith.addi %scan3A_3, %scan3A_4 : i32
    %scan3A_6 = arith.constant 1 : i32
    scf.for %scan3A_88 = %scan3A_3 to %scan3A_5 step %scan3A_6  : i32 {
      %broadcast_in_dim3A = arith.constant 0.000000e+00 : f32
      %broadcast_in_dim3A_89 = vector.broadcast %broadcast_in_dim3A : f32 to vector<16xf32>
      %swap3A = arith.index_cast %scan3A_88 : i32 to index
      %swap3A_90 = arith.constant 0 : index
      %swap3A_91 = tpu.vector_load %arg8[%swap3A, %swap3A_90] {strides = array<i32>} : memref<25x128xf32, #tpu.memory_space<vmem>>, vector<1x16xf32>,
      %swap3A_92 = vector.shape_cast %swap3A_91 : vector<1x16xf32> to vector<16xf32>
      %swap3A_93 = vector.shape_cast %broadcast_in_dim3A_89 : vector<16xf32> to vector<1x16xf32>
      tpu.vector_store %arg8[%swap3A, %swap3A_90], %swap3A_93 {strides = array<i32>} : memref<25x128xf32, #tpu.memory_space<vmem>>, vector<1x16xf32>,
      %broadcast_in_dim3A_94 = arith.constant 0.000000e+00 : f32
      %broadcast_in_dim3A_95 = vector.broadcast %broadcast_in_dim3A_94 : f32 to vector<16xf32>
      %swap3A_96 = arith.index_cast %scan3A_88 : i32 to index
      %swap3A_97 = arith.constant 16 : index
      %swap3A_98 = tpu.vector_load %arg8[%swap3A_96, %swap3A_97] {strides = array<i32>} : memref<25x128xf32, #tpu.memory_space<vmem>>, vector<1x16xf32>,
      %swap3A_99 = vector.shape_cast %swap3A_98 : vector<1x16xf32> to vector<16xf32>
      %swap3A_100 = vector.shape_cast %broadcast_in_dim3A_95 : vector<16xf32> to vector<1x16xf32>
      tpu.vector_store %arg8[%swap3A_96, %swap3A_97], %swap3A_100 {strides = array<i32>} : memref<25x128xf32, #tpu.memory_space<vmem>>, vector<1x16xf32>,
      %broadcast_in_dim3A_101 = arith.constant 0.000000e+00 : f32
      %broadcast_in_dim3A_102 = vector.broadcast %broadcast_in_dim3A_101 : f32 to vector<16xf32>
      %swap3A_103 = arith.index_cast %scan3A_88 : i32 to index
      %swap3A_104 = arith.constant 32 : index
      %swap3A_105 = tpu.vector_load %arg8[%swap3A_103, %swap3A_104] {strides = array<i32>} : memref<25x128xf32, #tpu.memory_space<vmem>>, vector<1x16xf32>,
      %swap3A_106 = vector.shape_cast %swap3A_105 : vector<1x16xf32> to vector<16xf32>
      %swap3A_107 = vector.shape_cast %broadcast_in_dim3A_102 : vector<16xf32> to vector<1x16xf32>
      tpu.vector_store %arg8[%swap3A_103, %swap3A_104], %swap3A_107 {strides = array<i32>} : memref<25x128xf32, #tpu.memory_space<vmem>>, vector<1x16xf32>,
      %broadcast_in_dim3A_108 = arith.constant 0.000000e+00 : f32
      %broadcast_in_dim3A_109 = vector.broadcast %broadcast_in_dim3A_108 : f32 to vector<16xf32>
      %swap3A_110 = arith.index_cast %scan3A_88 : i32 to index
      %swap3A_111 = arith.constant 48 : index
      %swap3A_112 = tpu.vector_load %arg8[%swap3A_110, %swap3A_111] {strides = array<i32>} : memref<25x128xf32, #tpu.memory_space<vmem>>, vector<1x16xf32>,
      %swap3A_113 = vector.shape_cast %swap3A_112 : vector<1x16xf32> to vector<16xf32>
      %swap3A_114 = vector.shape_cast %broadcast_in_dim3A_109 : vector<16xf32> to vector<1x16xf32>
      tpu.vector_store %arg8[%swap3A_110, %swap3A_111], %swap3A_114 {strides = array<i32>} : memref<25x128xf32, #tpu.memory_space<vmem>>, vector<1x16xf32>,
      %broadcast_in_dim3A_115 = arith.constant 0.000000e+00 : f32
      %broadcast_in_dim3A_116 = vector.broadcast %broadcast_in_dim3A_115 : f32 to vector<16xf32>
      %swap3A_117 = arith.index_cast %scan3A_88 : i32 to index
      %swap3A_118 = arith.constant 64 : index
      %swap3A_119 = tpu.vector_load %arg8[%swap3A_117, %swap3A_118] {strides = array<i32>} : memref<25x128xf32, #tpu.memory_space<vmem>>, vector<1x16xf32>,
      %swap3A_120 = vector.shape_cast %swap3A_119 : vector<1x16xf32> to vector<16xf32>
      %swap3A_121 = vector.shape_cast %broadcast_in_dim3A_116 : vector<16xf32> to vector<1x16xf32>
      tpu.vector_store %arg8[%swap3A_117, %swap3A_118], %swap3A_121 {strides = array<i32>} : memref<25x128xf32, #tpu.memory_space<vmem>>, vector<1x16xf32>,
      %broadcast_in_dim3A_122 = arith.constant 0.000000e+00 : f32
      %broadcast_in_dim3A_123 = vector.broadcast %broadcast_in_dim3A_122 : f32 to vector<16xf32>
      %swap3A_124 = arith.index_cast %scan3A_88 : i32 to index
      %swap3A_125 = arith.constant 80 : index
      %swap3A_126 = tpu.vector_load %arg8[%swap3A_124, %swap3A_125] {strides = array<i32>} : memref<25x128xf32, #tpu.memory_space<vmem>>, vector<1x16xf32>,
      %swap3A_127 = vector.shape_cast %swap3A_126 : vector<1x16xf32> to vector<16xf32>
      %swap3A_128 = vector.shape_cast %broadcast_in_dim3A_123 : vector<16xf32> to vector<1x16xf32>
      tpu.vector_store %arg8[%swap3A_124, %swap3A_125], %swap3A_128 {strides = array<i32>} : memref<25x128xf32, #tpu.memory_space<vmem>>, vector<1x16xf32>,
      %broadcast_in_dim3A_129 = arith.constant 0.000000e+00 : f32
      %broadcast_in_dim3A_130 = vector.broadcast %broadcast_in_dim3A_129 : f32 to vector<16xf32>
      %swap3A_131 = arith.index_cast %scan3A_88 : i32 to index
      %swap3A_132 = arith.constant 96 : index
      %swap3A_133 = tpu.vector_load %arg8[%swap3A_131, %swap3A_132] {strides = array<i32>} : memref<25x128xf32, #tpu.memory_space<vmem>>, vector<1x16xf32>,
      %swap3A_134 = vector.shape_cast %swap3A_133 : vector<1x16xf32> to vector<16xf32>
      %swap3A_135 = vector.shape_cast %broadcast_in_dim3A_130 : vector<16xf32> to vector<1x16xf32>
      tpu.vector_store %arg8[%swap3A_131, %swap3A_132], %swap3A_135 {strides = array<i32>} : memref<25x128xf32, #tpu.memory_space<vmem>>, vector<1x16xf32>,
      %broadcast_in_dim3A_136 = arith.constant 0.000000e+00 : f32
      %broadcast_in_dim3A_137 = vector.broadcast %broadcast_in_dim3A_136 : f32 to vector<16xf32>
      %swap3A_138 = arith.index_cast %scan3A_88 : i32 to index
      %swap3A_139 = arith.constant 112 : index
      %swap3A_140 = tpu.vector_load %arg8[%swap3A_138, %swap3A_139] {strides = array<i32>} : memref<25x128xf32, #tpu.memory_space<vmem>>, vector<1x16xf32>,
      %swap3A_141 = vector.shape_cast %swap3A_140 : vector<1x16xf32> to vector<16xf32>
      %swap3A_142 = vector.shape_cast %broadcast_in_dim3A_137 : vector<16xf32> to vector<1x16xf32>
      tpu.vector_store %arg8[%swap3A_138, %swap3A_139], %swap3A_142 {strides = array<i32>} : memref<25x128xf32, #tpu.memory_space<vmem>>, vector<1x16xf32>,
    }
    %scan3A_7 = arith.constant 25 : i32
    %scan3A_8 = arith.constant 0 : i32
    %scan3A_9 = arith.constant 0 : i32
    %scan3A_10 = arith.constant 25 : i32
    %scan3A_11 = arith.addi %scan3A_9, %scan3A_10 : i32
    %scan3A_12 = arith.constant 1 : i32
    scf.for %scan3A_88 = %scan3A_9 to %scan3A_11 step %scan3A_12  : i32 {
      %mul3A_89 = arith.constant 625 : i32
      %mul3A_90 = arith.muli %arg1, %mul3A_89 : i32
      %mul3A_91 = arith.constant 25 : i32
      %mul3A_92 = arith.muli %scan3A_88, %mul3A_91 : i32
      %add3A_93 = arith.addi %mul3A_90, %mul3A_92 : i32
      "tpu.region"() ({
        %run_scoped3A = tpu.sem_alloc : memref<!tpu.dma_semaphore, #tpu.memory_space<semaphore_mem>>
        %dma_start3A_94 = arith.constant 0 : i32
        %dma_start3A_95 = tpu.memref_slice %arg7[%add3A_93, %dma_start3A_94] : memref<10000x128xf32, #tpu.memory_space<vmem_shared>> -> memref<25x128xf32, #tpu.memory_space<vmem_shared>>
        %dma_start3A_96 = arith.constant 0 : i32
        %dma_start3A_97 = tpu.memref_slice %arg7[%add3A_93, %dma_start3A_96] : memref<10000x128xf32, #tpu.memory_space<vmem_shared>> -> memref<25x128xf32, #tpu.memory_space<vmem_shared>>
        tpu.enqueue_dma source(%arg8 : memref<25x128xf32, #tpu.memory_space<vmem>>) target(%dma_start3A_97 : memref<25x128xf32, #tpu.memory_space<vmem_shared>>) target_semaphore(%run_scoped3A : memref<!tpu.dma_semaphore, #tpu.memory_space<semaphore_mem>>)
        %dma_wait3A_98 = arith.constant 0 : i32
        %dma_wait3A_99 = tpu.memref_slice %arg7[%add3A_93, %dma_wait3A_98] : memref<10000x128xf32, #tpu.memory_space<vmem_shared>> -> memref<25x128xf32, #tpu.memory_space<vmem_shared>>
        %dma_wait3A_100 = arith.constant 0 : i32
        %dma_wait3A_101 = tpu.memref_slice %arg7[%add3A_93, %dma_wait3A_100] : memref<10000x128xf32, #tpu.memory_space<vmem_shared>> -> memref<25x128xf32, #tpu.memory_space<vmem_shared>>
        tpu.wait_dma2 semaphore(%run_scoped3A : memref<!tpu.dma_semaphore, #tpu.memory_space<semaphore_mem>>) src(%arg8 : memref<25x128xf32, #tpu.memory_space<vmem>>) dst(%dma_wait3A_101 : memref<25x128xf32, #tpu.memory_space<vmem_shared>>)
        tpu.yield
      }) : () -> ()
    }
    %scan3A_13 = arith.constant 25 : i32
    %barrier3A = arith.constant 0 : index
    tpu.barrier barrier_id(%barrier3A)
    %add3A_14 = arith.constant 0 : i32
    %add3A_15 = arith.addi %mul3A_2, %add3A_14 : i32
    %dma_start3A = tpu.memref_slice %arg4[%add3A_15] : memref<320000xi32, #tpu.memory_space<hbm>> -> memref<80xi32, #tpu.memory_space<hbm>>
    %dma_start3A_16 = tpu.memref_slice %arg4[%add3A_15] : memref<320000xi32, #tpu.memory_space<hbm>> -> memref<80xi32, #tpu.memory_space<hbm>>
    tpu.enqueue_dma source(%dma_start3A_16 : memref<80xi32, #tpu.memory_space<hbm>>) target(%arg9 : memref<80xi32, #tpu.memory_space<vmem>>) target_semaphore(%arg17 : memref<!tpu.dma_semaphore, #tpu.memory_space<semaphore_mem>>)
    %dma_start3A_17 = tpu.memref_slice %arg5[%add3A_15] : memref<320000xi32, #tpu.memory_space<hbm>> -> memref<80xi32, #tpu.memory_space<hbm>>
    %dma_start3A_18 = tpu.memref_slice %arg5[%add3A_15] : memref<320000xi32, #tpu.memory_space<hbm>> -> memref<80xi32, #tpu.memory_space<hbm>>
    tpu.enqueue_dma source(%dma_start3A_18 : memref<80xi32, #tpu.memory_space<hbm>>) target(%arg10 : memref<80xi32, #tpu.memory_space<vmem>>) target_semaphore(%arg17 : memref<!tpu.dma_semaphore, #tpu.memory_space<semaphore_mem>>)
    %dma_start3A_19 = arith.constant 0 : i32
    %dma_start3A_20 = tpu.memref_slice %arg2[%add3A_15, %dma_start3A_19] : memref<320000x128xf32, #tpu.memory_space<hbm>> -> memref<80x128xf32, #tpu.memory_space<hbm>>
    %dma_start3A_21 = arith.constant 0 : i32
    %dma_start3A_22 = tpu.memref_slice %arg2[%add3A_15, %dma_start3A_21] : memref<320000x128xf32, #tpu.memory_space<hbm>> -> memref<80x128xf32, #tpu.memory_space<hbm>>
    tpu.enqueue_dma source(%dma_start3A_22 : memref<80x128xf32, #tpu.memory_space<hbm>>) target(%arg13 : memref<80x128xf32, #tpu.memory_space<vmem>>) target_semaphore(%arg17 : memref<!tpu.dma_semaphore, #tpu.memory_space<semaphore_mem>>)
    %dma_start3A_23 = arith.constant 0 : i32
    %dma_start3A_24 = tpu.memref_slice %arg3[%add3A_15, %dma_start3A_23] : memref<320000x128xf32, #tpu.memory_space<hbm>> -> memref<80x128xf32, #tpu.memory_space<hbm>>
    %dma_start3A_25 = arith.constant 0 : i32
    %dma_start3A_26 = tpu.memref_slice %arg3[%add3A_15, %dma_start3A_25] : memref<320000x128xf32, #tpu.memory_space<hbm>> -> memref<80x128xf32, #tpu.memory_space<hbm>>
    tpu.enqueue_dma source(%dma_start3A_26 : memref<80x128xf32, #tpu.memory_space<hbm>>) target(%arg14 : memref<80x128xf32, #tpu.memory_space<vmem>>) target_semaphore(%arg17 : memref<!tpu.dma_semaphore, #tpu.memory_space<semaphore_mem>>)
    %scan3A_27 = arith.constant 0 : i32
    %scan3A_28 = arith.constant 0 : i32
    %scan3A_29 = arith.constant 62 : i32
    %scan3A_30 = arith.addi %scan3A_28, %scan3A_29 : i32
    %scan3A_31 = arith.constant 1 : i32
    scf.for %scan3A_88 = %scan3A_28 to %scan3A_30 step %scan3A_31  : i32 {
      %mul3A_89 = arith.constant 2 : i32
      %mul3A_90 = arith.muli %mul3A_89, %scan3A_88 : i32
      %add3A_91 = arith.constant 1 : i32
      %add3A_92 = arith.addi %mul3A_90, %add3A_91 : i32
      %mul3A_93 = arith.constant 80 : i32
      %mul3A_94 = arith.muli %add3A_92, %mul3A_93 : i32
      %add3A_95 = arith.addi %mul3A_2, %mul3A_94 : i32
      %dma_start3A_96 = tpu.memref_slice %arg4[%add3A_95] : memref<320000xi32, #tpu.memory_space<hbm>> -> memref<80xi32, #tpu.memory_space<hbm>>
      %dma_start3A_97 = tpu.memref_slice %arg4[%add3A_95] : memref<320000xi32, #tpu.memory_space<hbm>> -> memref<80xi32, #tpu.memory_space<hbm>>
      tpu.enqueue_dma source(%dma_start3A_97 : memref<80xi32, #tpu.memory_space<hbm>>) target(%arg11 : memref<80xi32, #tpu.memory_space<vmem>>) target_semaphore(%arg18 : memref<!tpu.dma_semaphore, #tpu.memory_space<semaphore_mem>>)
      %dma_start3A_98 = tpu.memref_slice %arg5[%add3A_95] : memref<320000xi32, #tpu.memory_space<hbm>> -> memref<80xi32, #tpu.memory_space<hbm>>
      %dma_start3A_99 = tpu.memref_slice %arg5[%add3A_95] : memref<320000xi32, #tpu.memory_space<hbm>> -> memref<80xi32, #tpu.memory_space<hbm>>
      tpu.enqueue_dma source(%dma_start3A_99 : memref<80xi32, #tpu.memory_space<hbm>>) target(%arg12 : memref<80xi32, #tpu.memory_space<vmem>>) target_semaphore(%arg18 : memref<!tpu.dma_semaphore, #tpu.memory_space<semaphore_mem>>)
      %dma_start3A_100 = arith.constant 0 : i32
      %dma_start3A_101 = tpu.memref_slice %arg2[%add3A_95, %dma_start3A_100] : memref<320000x128xf32, #tpu.memory_space<hbm>> -> memref<80x128xf32, #tpu.memory_space<hbm>>
      %dma_start3A_102 = arith.constant 0 : i32
      %dma_start3A_103 = tpu.memref_slice %arg2[%add3A_95, %dma_start3A_102] : memref<320000x128xf32, #tpu.memory_space<hbm>> -> memref<80x128xf32, #tpu.memory_space<hbm>>
      tpu.enqueue_dma source(%dma_start3A_103 : memref<80x128xf32, #tpu.memory_space<hbm>>) target(%arg15 : memref<80x128xf32, #tpu.memory_space<vmem>>) target_semaphore(%arg18 : memref<!tpu.dma_semaphore, #tpu.memory_space<semaphore_mem>>)
      %dma_start3A_104 = arith.constant 0 : i32
      %dma_start3A_105 = tpu.memref_slice %arg3[%add3A_95, %dma_start3A_104] : memref<320000x128xf32, #tpu.memory_space<hbm>> -> memref<80x128xf32, #tpu.memory_space<hbm>>
      %dma_start3A_106 = arith.constant 0 : i32
      %dma_start3A_107 = tpu.memref_slice %arg3[%add3A_95, %dma_start3A_106] : memref<320000x128xf32, #tpu.memory_space<hbm>> -> memref<80x128xf32, #tpu.memory_space<hbm>>
      tpu.enqueue_dma source(%dma_start3A_107 : memref<80x128xf32, #tpu.memory_space<hbm>>) target(%arg16 : memref<80x128xf32, #tpu.memory_space<vmem>>) target_semaphore(%arg18 : memref<!tpu.dma_semaphore, #tpu.memory_space<semaphore_mem>>)
      %dma_wait3A_108 = arith.constant 0 : i32
      %dma_wait3A_109 = tpu.memref_slice %arg4[%dma_wait3A_108] : memref<320000xi32, #tpu.memory_space<hbm>> -> memref<80xi32, #tpu.memory_space<hbm>>
      %dma_wait3A_110 = arith.constant 0 : i32
      %dma_wait3A_111 = tpu.memref_slice %arg4[%dma_wait3A_110] : memref<320000xi32, #tpu.memory_space<hbm>> -> memref<80xi32, #tpu.memory_space<hbm>>
      tpu.wait_dma2 semaphore(%arg17 : memref<!tpu.dma_semaphore, #tpu.memory_space<semaphore_mem>>) src(%dma_wait3A_111 : memref<80xi32, #tpu.memory_space<hbm>>) dst(%arg9 : memref<80xi32, #tpu.memory_space<vmem>>)
      %dma_wait3A_112 = arith.constant 0 : i32
      %dma_wait3A_113 = tpu.memref_slice %arg5[%dma_wait3A_112] : memref<320000xi32, #tpu.memory_space<hbm>> -> memref<80xi32, #tpu.memory_space<hbm>>
      %dma_wait3A_114 = arith.constant 0 : i32
      %dma_wait3A_115 = tpu.memref_slice %arg5[%dma_wait3A_114] : memref<320000xi32, #tpu.memory_space<hbm>> -> memref<80xi32, #tpu.memory_space<hbm>>
      tpu.wait_dma2 semaphore(%arg17 : memref<!tpu.dma_semaphore, #tpu.memory_space<semaphore_mem>>) src(%dma_wait3A_115 : memref<80xi32, #tpu.memory_space<hbm>>) dst(%arg10 : memref<80xi32, #tpu.memory_space<vmem>>)
      %dma_wait3A_116 = arith.constant 0 : i32
      %dma_wait3A_117 = arith.constant 0 : i32
      %dma_wait3A_118 = tpu.memref_slice %arg2[%dma_wait3A_116, %dma_wait3A_117] : memref<320000x128xf32, #tpu.memory_space<hbm>> -> memref<80x128xf32, #tpu.memory_space<hbm>>
      %dma_wait3A_119 = arith.constant 0 : i32
      %dma_wait3A_120 = arith.constant 0 : i32
      %dma_wait3A_121 = tpu.memref_slice %arg2[%dma_wait3A_119, %dma_wait3A_120] : memref<320000x128xf32, #tpu.memory_space<hbm>> -> memref<80x128xf32, #tpu.memory_space<hbm>>
      tpu.wait_dma2 semaphore(%arg17 : memref<!tpu.dma_semaphore, #tpu.memory_space<semaphore_mem>>) src(%dma_wait3A_121 : memref<80x128xf32, #tpu.memory_space<hbm>>) dst(%arg13 : memref<80x128xf32, #tpu.memory_space<vmem>>)
      %dma_wait3A_122 = arith.constant 0 : i32
      %dma_wait3A_123 = arith.constant 0 : i32
      %dma_wait3A_124 = tpu.memref_slice %arg3[%dma_wait3A_122, %dma_wait3A_123] : memref<320000x128xf32, #tpu.memory_space<hbm>> -> memref<80x128xf32, #tpu.memory_space<hbm>>
      %dma_wait3A_125 = arith.constant 0 : i32
      %dma_wait3A_126 = arith.constant 0 : i32
      %dma_wait3A_127 = tpu.memref_slice %arg3[%dma_wait3A_125, %dma_wait3A_126] : memref<320000x128xf32, #tpu.memory_space<hbm>> -> memref<80x128xf32, #tpu.memory_space<hbm>>
      tpu.wait_dma2 semaphore(%arg17 : memref<!tpu.dma_semaphore, #tpu.memory_space<semaphore_mem>>) src(%dma_wait3A_127 : memref<80x128xf32, #tpu.memory_space<hbm>>) dst(%arg14 : memref<80x128xf32, #tpu.memory_space<vmem>>)
      "tpu.region"() ({
        %run_scoped3A = tpu.sem_alloc : memref<!tpu.dma_semaphore, #tpu.memory_space<semaphore_mem>>
        %dma_start3A_167 = arith.constant 0 : i32
        %dma_start3A_168 = arith.constant 0 : i32
        %dma_start3A_169 = tpu.memref_slice %arg7[%dma_start3A_167, %dma_start3A_168] : memref<10000x128xf32, #tpu.memory_space<vmem_shared>> -> memref<10000x128xf32, #tpu.memory_space<vmem_shared>>
        tpu.enqueue_indirect_dma source(%arg13 : memref<80x128xf32, #tpu.memory_space<vmem>>) target(%dma_start3A_169 : memref<10000x128xf32, #tpu.memory_space<vmem_shared>>) offsets(%arg9 : memref<80xi32, #tpu.memory_space<vmem>>) semaphore(%run_scoped3A : memref<!tpu.dma_semaphore, #tpu.memory_space<semaphore_mem>>) {add = true}
        %dma_wait3A_170 = arith.constant 0 : i32
        %dma_wait3A_171 = arith.constant 0 : i32
        %dma_wait3A_172 = tpu.memref_slice %arg7[%dma_wait3A_170, %dma_wait3A_171] : memref<10000x128xf32, #tpu.memory_space<vmem_shared>> -> memref<10000x128xf32, #tpu.memory_space<vmem_shared>>
        tpu.wait_indirect_dma semaphore(%run_scoped3A : memref<!tpu.dma_semaphore, #tpu.memory_space<semaphore_mem>>) src(%arg13 : memref<80x128xf32, #tpu.memory_space<vmem>>) dst(%dma_wait3A_172 : memref<10000x128xf32, #tpu.memory_space<vmem_shared>>)
        tpu.yield
      }) : () -> ()
      "tpu.region"() ({
        %run_scoped3A = tpu.sem_alloc : memref<!tpu.dma_semaphore, #tpu.memory_space<semaphore_mem>>
        %dma_start3A_167 = arith.constant 0 : i32
        %dma_start3A_168 = arith.constant 0 : i32
        %dma_start3A_169 = tpu.memref_slice %arg7[%dma_start3A_167, %dma_start3A_168] : memref<10000x128xf32, #tpu.memory_space<vmem_shared>> -> memref<10000x128xf32, #tpu.memory_space<vmem_shared>>
        tpu.enqueue_indirect_dma source(%arg14 : memref<80x128xf32, #tpu.memory_space<vmem>>) target(%dma_start3A_169 : memref<10000x128xf32, #tpu.memory_space<vmem_shared>>) offsets(%arg10 : memref<80xi32, #tpu.memory_space<vmem>>) semaphore(%run_scoped3A : memref<!tpu.dma_semaphore, #tpu.memory_space<semaphore_mem>>) {add = true}
        %dma_wait3A_170 = arith.constant 0 : i32
        %dma_wait3A_171 = arith.constant 0 : i32
        %dma_wait3A_172 = tpu.memref_slice %arg7[%dma_wait3A_170, %dma_wait3A_171] : memref<10000x128xf32, #tpu.memory_space<vmem_shared>> -> memref<10000x128xf32, #tpu.memory_space<vmem_shared>>
        tpu.wait_indirect_dma semaphore(%run_scoped3A : memref<!tpu.dma_semaphore, #tpu.memory_space<semaphore_mem>>) src(%arg14 : memref<80x128xf32, #tpu.memory_space<vmem>>) dst(%dma_wait3A_172 : memref<10000x128xf32, #tpu.memory_space<vmem_shared>>)
        tpu.yield
      }) : () -> ()
      %mul3A_128 = arith.constant 2 : i32
      %mul3A_129 = arith.muli %mul3A_128, %scan3A_88 : i32
      %add3A_130 = arith.constant 2 : i32
      %add3A_131 = arith.addi %mul3A_129, %add3A_130 : i32
      %mul3A_132 = arith.constant 80 : i32
      %mul3A_133 = arith.muli %add3A_131, %mul3A_132 : i32
      %add3A_134 = arith.addi %mul3A_2, %mul3A_133 : i32
      %dma_start3A_135 = tpu.memref_slice %arg4[%add3A_134] : memref<320000xi32, #tpu.memory_space<hbm>> -> memref<80xi32, #tpu.memory_space<hbm>>
      %dma_start3A_136 = tpu.memref_slice %arg4[%add3A_134] : memref<320000xi32, #tpu.memory_space<hbm>> -> memref<80xi32, #tpu.memory_space<hbm>>
      tpu.enqueue_dma source(%dma_start3A_136 : memref<80xi32, #tpu.memory_space<hbm>>) target(%arg9 : memref<80xi32, #tpu.memory_space<vmem>>) target_semaphore(%arg17 : memref<!tpu.dma_semaphore, #tpu.memory_space<semaphore_mem>>)
      %dma_start3A_137 = tpu.memref_slice %arg5[%add3A_134] : memref<320000xi32, #tpu.memory_space<hbm>> -> memref<80xi32, #tpu.memory_space<hbm>>
      %dma_start3A_138 = tpu.memref_slice %arg5[%add3A_134] : memref<320000xi32, #tpu.memory_space<hbm>> -> memref<80xi32, #tpu.memory_space<hbm>>
      tpu.enqueue_dma source(%dma_start3A_138 : memref<80xi32, #tpu.memory_space<hbm>>) target(%arg10 : memref<80xi32, #tpu.memory_space<vmem>>) target_semaphore(%arg17 : memref<!tpu.dma_semaphore, #tpu.memory_space<semaphore_mem>>)
      %dma_start3A_139 = arith.constant 0 : i32
      %dma_start3A_140 = tpu.memref_slice %arg2[%add3A_134, %dma_start3A_139] : memref<320000x128xf32, #tpu.memory_space<hbm>> -> memref<80x128xf32, #tpu.memory_space<hbm>>
      %dma_start3A_141 = arith.constant 0 : i32
      %dma_start3A_142 = tpu.memref_slice %arg2[%add3A_134, %dma_start3A_141] : memref<320000x128xf32, #tpu.memory_space<hbm>> -> memref<80x128xf32, #tpu.memory_space<hbm>>
      tpu.enqueue_dma source(%dma_start3A_142 : memref<80x128xf32, #tpu.memory_space<hbm>>) target(%arg13 : memref<80x128xf32, #tpu.memory_space<vmem>>) target_semaphore(%arg17 : memref<!tpu.dma_semaphore, #tpu.memory_space<semaphore_mem>>)
      %dma_start3A_143 = arith.constant 0 : i32
      %dma_start3A_144 = tpu.memref_slice %arg3[%add3A_134, %dma_start3A_143] : memref<320000x128xf32, #tpu.memory_space<hbm>> -> memref<80x128xf32, #tpu.memory_space<hbm>>
      %dma_start3A_145 = arith.constant 0 : i32
      %dma_start3A_146 = tpu.memref_slice %arg3[%add3A_134, %dma_start3A_145] : memref<320000x128xf32, #tpu.memory_space<hbm>> -> memref<80x128xf32, #tpu.memory_space<hbm>>
      tpu.enqueue_dma source(%dma_start3A_146 : memref<80x128xf32, #tpu.memory_space<hbm>>) target(%arg14 : memref<80x128xf32, #tpu.memory_space<vmem>>) target_semaphore(%arg17 : memref<!tpu.dma_semaphore, #tpu.memory_space<semaphore_mem>>)
      %dma_wait3A_147 = arith.constant 0 : i32
      %dma_wait3A_148 = tpu.memref_slice %arg4[%dma_wait3A_147] : memref<320000xi32, #tpu.memory_space<hbm>> -> memref<80xi32, #tpu.memory_space<hbm>>
      %dma_wait3A_149 = arith.constant 0 : i32
      %dma_wait3A_150 = tpu.memref_slice %arg4[%dma_wait3A_149] : memref<320000xi32, #tpu.memory_space<hbm>> -> memref<80xi32, #tpu.memory_space<hbm>>
      tpu.wait_dma2 semaphore(%arg18 : memref<!tpu.dma_semaphore, #tpu.memory_space<semaphore_mem>>) src(%dma_wait3A_150 : memref<80xi32, #tpu.memory_space<hbm>>) dst(%arg11 : memref<80xi32, #tpu.memory_space<vmem>>)
      %dma_wait3A_151 = arith.constant 0 : i32
      %dma_wait3A_152 = tpu.memref_slice %arg5[%dma_wait3A_151] : memref<320000xi32, #tpu.memory_space<hbm>> -> memref<80xi32, #tpu.memory_space<hbm>>
      %dma_wait3A_153 = arith.constant 0 : i32
      %dma_wait3A_154 = tpu.memref_slice %arg5[%dma_wait3A_153] : memref<320000xi32, #tpu.memory_space<hbm>> -> memref<80xi32, #tpu.memory_space<hbm>>
      tpu.wait_dma2 semaphore(%arg18 : memref<!tpu.dma_semaphore, #tpu.memory_space<semaphore_mem>>) src(%dma_wait3A_154 : memref<80xi32, #tpu.memory_space<hbm>>) dst(%arg12 : memref<80xi32, #tpu.memory_space<vmem>>)
      %dma_wait3A_155 = arith.constant 0 : i32
      %dma_wait3A_156 = arith.constant 0 : i32
      %dma_wait3A_157 = tpu.memref_slice %arg2[%dma_wait3A_155, %dma_wait3A_156] : memref<320000x128xf32, #tpu.memory_space<hbm>> -> memref<80x128xf32, #tpu.memory_space<hbm>>
      %dma_wait3A_158 = arith.constant 0 : i32
      %dma_wait3A_159 = arith.constant 0 : i32
      %dma_wait3A_160 = tpu.memref_slice %arg2[%dma_wait3A_158, %dma_wait3A_159] : memref<320000x128xf32, #tpu.memory_space<hbm>> -> memref<80x128xf32, #tpu.memory_space<hbm>>
      tpu.wait_dma2 semaphore(%arg18 : memref<!tpu.dma_semaphore, #tpu.memory_space<semaphore_mem>>) src(%dma_wait3A_160 : memref<80x128xf32, #tpu.memory_space<hbm>>) dst(%arg15 : memref<80x128xf32, #tpu.memory_space<vmem>>)
      %dma_wait3A_161 = arith.constant 0 : i32
      %dma_wait3A_162 = arith.constant 0 : i32
      %dma_wait3A_163 = tpu.memref_slice %arg3[%dma_wait3A_161, %dma_wait3A_162] : memref<320000x128xf32, #tpu.memory_space<hbm>> -> memref<80x128xf32, #tpu.memory_space<hbm>>
      %dma_wait3A_164 = arith.constant 0 : i32
      %dma_wait3A_165 = arith.constant 0 : i32
      %dma_wait3A_166 = tpu.memref_slice %arg3[%dma_wait3A_164, %dma_wait3A_165] : memref<320000x128xf32, #tpu.memory_space<hbm>> -> memref<80x128xf32, #tpu.memory_space<hbm>>
      tpu.wait_dma2 semaphore(%arg18 : memref<!tpu.dma_semaphore, #tpu.memory_space<semaphore_mem>>) src(%dma_wait3A_166 : memref<80x128xf32, #tpu.memory_space<hbm>>) dst(%arg16 : memref<80x128xf32, #tpu.memory_space<vmem>>)
      "tpu.region"() ({
        %run_scoped3A = tpu.sem_alloc : memref<!tpu.dma_semaphore, #tpu.memory_space<semaphore_mem>>
        %dma_start3A_167 = arith.constant 0 : i32
        %dma_start3A_168 = arith.constant 0 : i32
        %dma_start3A_169 = tpu.memref_slice %arg7[%dma_start3A_167, %dma_start3A_168] : memref<10000x128xf32, #tpu.memory_space<vmem_shared>> -> memref<10000x128xf32, #tpu.memory_space<vmem_shared>>
        tpu.enqueue_indirect_dma source(%arg15 : memref<80x128xf32, #tpu.memory_space<vmem>>) target(%dma_start3A_169 : memref<10000x128xf32, #tpu.memory_space<vmem_shared>>) offsets(%arg11 : memref<80xi32, #tpu.memory_space<vmem>>) semaphore(%run_scoped3A : memref<!tpu.dma_semaphore, #tpu.memory_space<semaphore_mem>>) {add = true}
        %dma_wait3A_170 = arith.constant 0 : i32
        %dma_wait3A_171 = arith.constant 0 : i32
        %dma_wait3A_172 = tpu.memref_slice %arg7[%dma_wait3A_170, %dma_wait3A_171] : memref<10000x128xf32, #tpu.memory_space<vmem_shared>> -> memref<10000x128xf32, #tpu.memory_space<vmem_shared>>
        tpu.wait_indirect_dma semaphore(%run_scoped3A : memref<!tpu.dma_semaphore, #tpu.memory_space<semaphore_mem>>) src(%arg15 : memref<80x128xf32, #tpu.memory_space<vmem>>) dst(%dma_wait3A_172 : memref<10000x128xf32, #tpu.memory_space<vmem_shared>>)
        tpu.yield
      }) : () -> ()
      "tpu.region"() ({
        %run_scoped3A = tpu.sem_alloc : memref<!tpu.dma_semaphore, #tpu.memory_space<semaphore_mem>>
        %dma_start3A_167 = arith.constant 0 : i32
        %dma_start3A_168 = arith.constant 0 : i32
        %dma_start3A_169 = tpu.memref_slice %arg7[%dma_start3A_167, %dma_start3A_168] : memref<10000x128xf32, #tpu.memory_space<vmem_shared>> -> memref<10000x128xf32, #tpu.memory_space<vmem_shared>>
        tpu.enqueue_indirect_dma source(%arg16 : memref<80x128xf32, #tpu.memory_space<vmem>>) target(%dma_start3A_169 : memref<10000x128xf32, #tpu.memory_space<vmem_shared>>) offsets(%arg12 : memref<80xi32, #tpu.memory_space<vmem>>) semaphore(%run_scoped3A : memref<!tpu.dma_semaphore, #tpu.memory_space<semaphore_mem>>) {add = true}
        %dma_wait3A_170 = arith.constant 0 : i32
        %dma_wait3A_171 = arith.constant 0 : i32
        %dma_wait3A_172 = tpu.memref_slice %arg7[%dma_wait3A_170, %dma_wait3A_171] : memref<10000x128xf32, #tpu.memory_space<vmem_shared>> -> memref<10000x128xf32, #tpu.memory_space<vmem_shared>>
        tpu.wait_indirect_dma semaphore(%run_scoped3A : memref<!tpu.dma_semaphore, #tpu.memory_space<semaphore_mem>>) src(%arg16 : memref<80x128xf32, #tpu.memory_space<vmem>>) dst(%dma_wait3A_172 : memref<10000x128xf32, #tpu.memory_space<vmem_shared>>)
        tpu.yield
      }) : () -> ()
    }
    %scan3A_32 = arith.constant 62 : i32
    %dma_wait3A = arith.constant 0 : i32
    %dma_wait3A_33 = tpu.memref_slice %arg4[%dma_wait3A] : memref<320000xi32, #tpu.memory_space<hbm>> -> memref<80xi32, #tpu.memory_space<hbm>>
    %dma_wait3A_34 = arith.constant 0 : i32
    %dma_wait3A_35 = tpu.memref_slice %arg4[%dma_wait3A_34] : memref<320000xi32, #tpu.memory_space<hbm>> -> memref<80xi32, #tpu.memory_space<hbm>>
    tpu.wait_dma2 semaphore(%arg17 : memref<!tpu.dma_semaphore, #tpu.memory_space<semaphore_mem>>) src(%dma_wait3A_35 : memref<80xi32, #tpu.memory_space<hbm>>) dst(%arg9 : memref<80xi32, #tpu.memory_space<vmem>>)
    %dma_wait3A_36 = arith.constant 0 : i32
    %dma_wait3A_37 = tpu.memref_slice %arg5[%dma_wait3A_36] : memref<320000xi32, #tpu.memory_space<hbm>> -> memref<80xi32, #tpu.memory_space<hbm>>
    %dma_wait3A_38 = arith.constant 0 : i32
    %dma_wait3A_39 = tpu.memref_slice %arg5[%dma_wait3A_38] : memref<320000xi32, #tpu.memory_space<hbm>> -> memref<80xi32, #tpu.memory_space<hbm>>
    tpu.wait_dma2 semaphore(%arg17 : memref<!tpu.dma_semaphore, #tpu.memory_space<semaphore_mem>>) src(%dma_wait3A_39 : memref<80xi32, #tpu.memory_space<hbm>>) dst(%arg10 : memref<80xi32, #tpu.memory_space<vmem>>)
    %dma_wait3A_40 = arith.constant 0 : i32
    %dma_wait3A_41 = arith.constant 0 : i32
    %dma_wait3A_42 = tpu.memref_slice %arg2[%dma_wait3A_40, %dma_wait3A_41] : memref<320000x128xf32, #tpu.memory_space<hbm>> -> memref<80x128xf32, #tpu.memory_space<hbm>>
    %dma_wait3A_43 = arith.constant 0 : i32
    %dma_wait3A_44 = arith.constant 0 : i32
    %dma_wait3A_45 = tpu.memref_slice %arg2[%dma_wait3A_43, %dma_wait3A_44] : memref<320000x128xf32, #tpu.memory_space<hbm>> -> memref<80x128xf32, #tpu.memory_space<hbm>>
    tpu.wait_dma2 semaphore(%arg17 : memref<!tpu.dma_semaphore, #tpu.memory_space<semaphore_mem>>) src(%dma_wait3A_45 : memref<80x128xf32, #tpu.memory_space<hbm>>) dst(%arg13 : memref<80x128xf32, #tpu.memory_space<vmem>>)
    %dma_wait3A_46 = arith.constant 0 : i32
    %dma_wait3A_47 = arith.constant 0 : i32
    %dma_wait3A_48 = tpu.memref_slice %arg3[%dma_wait3A_46, %dma_wait3A_47] : memref<320000x128xf32, #tpu.memory_space<hbm>> -> memref<80x128xf32, #tpu.memory_space<hbm>>
    %dma_wait3A_49 = arith.constant 0 : i32
    %dma_wait3A_50 = arith.constant 0 : i32
    %dma_wait3A_51 = tpu.memref_slice %arg3[%dma_wait3A_49, %dma_wait3A_50] : memref<320000x128xf32, #tpu.memory_space<hbm>> -> memref<80x128xf32, #tpu.memory_space<hbm>>
    tpu.wait_dma2 semaphore(%arg17 : memref<!tpu.dma_semaphore, #tpu.memory_space<semaphore_mem>>) src(%dma_wait3A_51 : memref<80x128xf32, #tpu.memory_space<hbm>>) dst(%arg14 : memref<80x128xf32, #tpu.memory_space<vmem>>)
    "tpu.region"() ({
      %run_scoped3A = tpu.sem_alloc : memref<!tpu.dma_semaphore, #tpu.memory_space<semaphore_mem>>
      %dma_start3A_88 = arith.constant 0 : i32
      %dma_start3A_89 = arith.constant 0 : i32
      %dma_start3A_90 = tpu.memref_slice %arg7[%dma_start3A_88, %dma_start3A_89] : memref<10000x128xf32, #tpu.memory_space<vmem_shared>> -> memref<10000x128xf32, #tpu.memory_space<vmem_shared>>
      tpu.enqueue_indirect_dma source(%arg13 : memref<80x128xf32, #tpu.memory_space<vmem>>) target(%dma_start3A_90 : memref<10000x128xf32, #tpu.memory_space<vmem_shared>>) offsets(%arg9 : memref<80xi32, #tpu.memory_space<vmem>>) semaphore(%run_scoped3A : memref<!tpu.dma_semaphore, #tpu.memory_space<semaphore_mem>>) {add = true}
      %dma_wait3A_91 = arith.constant 0 : i32
      %dma_wait3A_92 = arith.constant 0 : i32
      %dma_wait3A_93 = tpu.memref_slice %arg7[%dma_wait3A_91, %dma_wait3A_92] : memref<10000x128xf32, #tpu.memory_space<vmem_shared>> -> memref<10000x128xf32, #tpu.memory_space<vmem_shared>>
      tpu.wait_indirect_dma semaphore(%run_scoped3A : memref<!tpu.dma_semaphore, #tpu.memory_space<semaphore_mem>>) src(%arg13 : memref<80x128xf32, #tpu.memory_space<vmem>>) dst(%dma_wait3A_93 : memref<10000x128xf32, #tpu.memory_space<vmem_shared>>)
      tpu.yield
    }) : () -> ()
    "tpu.region"() ({
      %run_scoped3A = tpu.sem_alloc : memref<!tpu.dma_semaphore, #tpu.memory_space<semaphore_mem>>
      %dma_start3A_88 = arith.constant 0 : i32
      %dma_start3A_89 = arith.constant 0 : i32
      %dma_start3A_90 = tpu.memref_slice %arg7[%dma_start3A_88, %dma_start3A_89] : memref<10000x128xf32, #tpu.memory_space<vmem_shared>> -> memref<10000x128xf32, #tpu.memory_space<vmem_shared>>
      tpu.enqueue_indirect_dma source(%arg14 : memref<80x128xf32, #tpu.memory_space<vmem>>) target(%dma_start3A_90 : memref<10000x128xf32, #tpu.memory_space<vmem_shared>>) offsets(%arg10 : memref<80xi32, #tpu.memory_space<vmem>>) semaphore(%run_scoped3A : memref<!tpu.dma_semaphore, #tpu.memory_space<semaphore_mem>>) {add = true}
      %dma_wait3A_91 = arith.constant 0 : i32
      %dma_wait3A_92 = arith.constant 0 : i32
      %dma_wait3A_93 = tpu.memref_slice %arg7[%dma_wait3A_91, %dma_wait3A_92] : memref<10000x128xf32, #tpu.memory_space<vmem_shared>> -> memref<10000x128xf32, #tpu.memory_space<vmem_shared>>
      tpu.wait_indirect_dma semaphore(%run_scoped3A : memref<!tpu.dma_semaphore, #tpu.memory_space<semaphore_mem>>) src(%arg14 : memref<80x128xf32, #tpu.memory_space<vmem>>) dst(%dma_wait3A_93 : memref<10000x128xf32, #tpu.memory_space<vmem_shared>>)
      tpu.yield
    }) : () -> ()
    %barrier3A_52 = arith.constant 0 : index
    tpu.barrier barrier_id(%barrier3A_52)
    %mul3A_53 = arith.constant 625 : i32
    %mul3A_54 = arith.muli %arg1, %mul3A_53 : i32
    %add3A_55 = arith.constant 0 : i32
    %add3A_56 = arith.addi %mul3A_54, %add3A_55 : i32
    %mul3A_57 = arith.constant 10000 : i32
    %mul3A_58 = arith.muli %arg0, %mul3A_57 : i32
    %add3A_59 = arith.addi %mul3A_58, %add3A_56 : i32
    "tpu.region"() ({
      %run_scoped3A = tpu.sem_alloc : memref<!tpu.dma_semaphore, #tpu.memory_space<semaphore_mem>>
      %dma_start3A_88 = arith.constant 0 : i32
      %dma_start3A_89 = tpu.memref_slice %arg6[%add3A_59, %dma_start3A_88] : memref<20000x128xf32, #tpu.memory_space<hbm>> -> memref<125x128xf32, #tpu.memory_space<hbm>>
      %dma_start3A_90 = arith.constant 0 : i32
      %dma_start3A_91 = tpu.memref_slice %arg7[%add3A_56, %dma_start3A_90] : memref<10000x128xf32, #tpu.memory_space<vmem_shared>> -> memref<125x128xf32, #tpu.memory_space<vmem_shared>>
      tpu.enqueue_dma source(%dma_start3A_91 : memref<125x128xf32, #tpu.memory_space<vmem_shared>>) target(%dma_start3A_89 : memref<125x128xf32, #tpu.memory_space<hbm>>) target_semaphore(%run_scoped3A : memref<!tpu.dma_semaphore, #tpu.memory_space<semaphore_mem>>)
      %dma_wait3A_92 = arith.constant 0 : i32
      %dma_wait3A_93 = tpu.memref_slice %arg6[%add3A_59, %dma_wait3A_92] : memref<20000x128xf32, #tpu.memory_space<hbm>> -> memref<125x128xf32, #tpu.memory_space<hbm>>
      %dma_wait3A_94 = arith.constant 0 : i32
      %dma_wait3A_95 = tpu.memref_slice %arg7[%add3A_56, %dma_wait3A_94] : memref<10000x128xf32, #tpu.memory_space<vmem_shared>> -> memref<125x128xf32, #tpu.memory_space<vmem_shared>>
      tpu.wait_dma2 semaphore(%run_scoped3A : memref<!tpu.dma_semaphore, #tpu.memory_space<semaphore_mem>>) src(%dma_wait3A_95 : memref<125x128xf32, #tpu.memory_space<vmem_shared>>) dst(%dma_wait3A_93 : memref<125x128xf32, #tpu.memory_space<hbm>>)
      tpu.yield
    }) : () -> ()
    %mul3A_60 = arith.constant 625 : i32
    %mul3A_61 = arith.muli %arg1, %mul3A_60 : i32
    %add3A_62 = arith.constant 125 : i32
    %add3A_63 = arith.addi %mul3A_61, %add3A_62 : i32
    %mul3A_64 = arith.constant 10000 : i32
    %mul3A_65 = arith.muli %arg0, %mul3A_64 : i32
    %add3A_66 = arith.addi %mul3A_65, %add3A_63 : i32
    "tpu.region"() ({
      %run_scoped3A = tpu.sem_alloc : memref<!tpu.dma_semaphore, #tpu.memory_space<semaphore_mem>>
      %dma_start3A_88 = arith.constant 0 : i32
      %dma_start3A_89 = tpu.memref_slice %arg6[%add3A_66, %dma_start3A_88] : memref<20000x128xf32, #tpu.memory_space<hbm>> -> memref<125x128xf32, #tpu.memory_space<hbm>>
      %dma_start3A_90 = arith.constant 0 : i32
      %dma_start3A_91 = tpu.memref_slice %arg7[%add3A_63, %dma_start3A_90] : memref<10000x128xf32, #tpu.memory_space<vmem_shared>> -> memref<125x128xf32, #tpu.memory_space<vmem_shared>>
      tpu.enqueue_dma source(%dma_start3A_91 : memref<125x128xf32, #tpu.memory_space<vmem_shared>>) target(%dma_start3A_89 : memref<125x128xf32, #tpu.memory_space<hbm>>) target_semaphore(%run_scoped3A : memref<!tpu.dma_semaphore, #tpu.memory_space<semaphore_mem>>)
      %dma_wait3A_92 = arith.constant 0 : i32
      %dma_wait3A_93 = tpu.memref_slice %arg6[%add3A_66, %dma_wait3A_92] : memref<20000x128xf32, #tpu.memory_space<hbm>> -> memref<125x128xf32, #tpu.memory_space<hbm>>
      %dma_wait3A_94 = arith.constant 0 : i32
      %dma_wait3A_95 = tpu.memref_slice %arg7[%add3A_63, %dma_wait3A_94] : memref<10000x128xf32, #tpu.memory_space<vmem_shared>> -> memref<125x128xf32, #tpu.memory_space<vmem_shared>>
      tpu.wait_dma2 semaphore(%run_scoped3A : memref<!tpu.dma_semaphore, #tpu.memory_space<semaphore_mem>>) src(%dma_wait3A_95 : memref<125x128xf32, #tpu.memory_space<vmem_shared>>) dst(%dma_wait3A_93 : memref<125x128xf32, #tpu.memory_space<hbm>>)
      tpu.yield
    }) : () -> ()
    %mul3A_67 = arith.constant 625 : i32
    %mul3A_68 = arith.muli %arg1, %mul3A_67 : i32
    %add3A_69 = arith.constant 250 : i32
    %add3A_70 = arith.addi %mul3A_68, %add3A_69 : i32
    %mul3A_71 = arith.constant 10000 : i32
    %mul3A_72 = arith.muli %arg0, %mul3A_71 : i32
    %add3A_73 = arith.addi %mul3A_72, %add3A_70 : i32
    "tpu.region"() ({
      %run_scoped3A = tpu.sem_alloc : memref<!tpu.dma_semaphore, #tpu.memory_space<semaphore_mem>>
      %dma_start3A_88 = arith.constant 0 : i32
      %dma_start3A_89 = tpu.memref_slice %arg6[%add3A_73, %dma_start3A_88] : memref<20000x128xf32, #tpu.memory_space<hbm>> -> memref<125x128xf32, #tpu.memory_space<hbm>>
      %dma_start3A_90 = arith.constant 0 : i32
      %dma_start3A_91 = tpu.memref_slice %arg7[%add3A_70, %dma_start3A_90] : memref<10000x128xf32, #tpu.memory_space<vmem_shared>> -> memref<125x128xf32, #tpu.memory_space<vmem_shared>>
      tpu.enqueue_dma source(%dma_start3A_91 : memref<125x128xf32, #tpu.memory_space<vmem_shared>>) target(%dma_start3A_89 : memref<125x128xf32, #tpu.memory_space<hbm>>) target_semaphore(%run_scoped3A : memref<!tpu.dma_semaphore, #tpu.memory_space<semaphore_mem>>)
      %dma_wait3A_92 = arith.constant 0 : i32
      %dma_wait3A_93 = tpu.memref_slice %arg6[%add3A_73, %dma_wait3A_92] : memref<20000x128xf32, #tpu.memory_space<hbm>> -> memref<125x128xf32, #tpu.memory_space<hbm>>
      %dma_wait3A_94 = arith.constant 0 : i32
      %dma_wait3A_95 = tpu.memref_slice %arg7[%add3A_70, %dma_wait3A_94] : memref<10000x128xf32, #tpu.memory_space<vmem_shared>> -> memref<125x128xf32, #tpu.memory_space<vmem_shared>>
      tpu.wait_dma2 semaphore(%run_scoped3A : memref<!tpu.dma_semaphore, #tpu.memory_space<semaphore_mem>>) src(%dma_wait3A_95 : memref<125x128xf32, #tpu.memory_space<vmem_shared>>) dst(%dma_wait3A_93 : memref<125x128xf32, #tpu.memory_space<hbm>>)
      tpu.yield
    }) : () -> ()
    %mul3A_74 = arith.constant 625 : i32
    %mul3A_75 = arith.muli %arg1, %mul3A_74 : i32
    %add3A_76 = arith.constant 375 : i32
    %add3A_77 = arith.addi %mul3A_75, %add3A_76 : i32
    %mul3A_78 = arith.constant 10000 : i32
    %mul3A_79 = arith.muli %arg0, %mul3A_78 : i32
    %add3A_80 = arith.addi %mul3A_79, %add3A_77 : i32
    "tpu.region"() ({
      %run_scoped3A = tpu.sem_alloc : memref<!tpu.dma_semaphore, #tpu.memory_space<semaphore_mem>>
      %dma_start3A_88 = arith.constant 0 : i32
      %dma_start3A_89 = tpu.memref_slice %arg6[%add3A_80, %dma_start3A_88] : memref<20000x128xf32, #tpu.memory_space<hbm>> -> memref<125x128xf32, #tpu.memory_space<hbm>>
      %dma_start3A_90 = arith.constant 0 : i32
      %dma_start3A_91 = tpu.memref_slice %arg7[%add3A_77, %dma_start3A_90] : memref<10000x128xf32, #tpu.memory_space<vmem_shared>> -> memref<125x128xf32, #tpu.memory_space<vmem_shared>>
      tpu.enqueue_dma source(%dma_start3A_91 : memref<125x128xf32, #tpu.memory_space<vmem_shared>>) target(%dma_start3A_89 : memref<125x128xf32, #tpu.memory_space<hbm>>) target_semaphore(%run_scoped3A : memref<!tpu.dma_semaphore, #tpu.memory_space<semaphore_mem>>)
      %dma_wait3A_92 = arith.constant 0 : i32
      %dma_wait3A_93 = tpu.memref_slice %arg6[%add3A_80, %dma_wait3A_92] : memref<20000x128xf32, #tpu.memory_space<hbm>> -> memref<125x128xf32, #tpu.memory_space<hbm>>
      %dma_wait3A_94 = arith.constant 0 : i32
      %dma_wait3A_95 = tpu.memref_slice %arg7[%add3A_77, %dma_wait3A_94] : memref<10000x128xf32, #tpu.memory_space<vmem_shared>> -> memref<125x128xf32, #tpu.memory_space<vmem_shared>>
      tpu.wait_dma2 semaphore(%run_scoped3A : memref<!tpu.dma_semaphore, #tpu.memory_space<semaphore_mem>>) src(%dma_wait3A_95 : memref<125x128xf32, #tpu.memory_space<vmem_shared>>) dst(%dma_wait3A_93 : memref<125x128xf32, #tpu.memory_space<hbm>>)
      tpu.yield
    }) : () -> ()
    %mul3A_81 = arith.constant 625 : i32
    %mul3A_82 = arith.muli %arg1, %mul3A_81 : i32
    %add3A_83 = arith.constant 500 : i32
    %add3A_84 = arith.addi %mul3A_82, %add3A_83 : i32
    %mul3A_85 = arith.constant 10000 : i32
    %mul3A_86 = arith.muli %arg0, %mul3A_85 : i32
    %add3A_87 = arith.addi %mul3A_86, %add3A_84 : i32
    "tpu.region"() ({
      %run_scoped3A = tpu.sem_alloc : memref<!tpu.dma_semaphore, #tpu.memory_space<semaphore_mem>>
      %dma_start3A_88 = arith.constant 0 : i32
      %dma_start3A_89 = tpu.memref_slice %arg6[%add3A_87, %dma_start3A_88] : memref<20000x128xf32, #tpu.memory_space<hbm>> -> memref<125x128xf32, #tpu.memory_space<hbm>>
      %dma_start3A_90 = arith.constant 0 : i32
      %dma_start3A_91 = tpu.memref_slice %arg7[%add3A_84, %dma_start3A_90] : memref<10000x128xf32, #tpu.memory_space<vmem_shared>> -> memref<125x128xf32, #tpu.memory_space<vmem_shared>>
      tpu.enqueue_dma source(%dma_start3A_91 : memref<125x128xf32, #tpu.memory_space<vmem_shared>>) target(%dma_start3A_89 : memref<125x128xf32, #tpu.memory_space<hbm>>) target_semaphore(%run_scoped3A : memref<!tpu.dma_semaphore, #tpu.memory_space<semaphore_mem>>)
      %dma_wait3A_92 = arith.constant 0 : i32
      %dma_wait3A_93 = tpu.memref_slice %arg6[%add3A_87, %dma_wait3A_92] : memref<20000x128xf32, #tpu.memory_space<hbm>> -> memref<125x128xf32, #tpu.memory_space<hbm>>
      %dma_wait3A_94 = arith.constant 0 : i32
      %dma_wait3A_95 = tpu.memref_slice %arg7[%add3A_84, %dma_wait3A_94] : memref<10000x128xf32, #tpu.memory_space<vmem_shared>> -> memref<125x128xf32, #tpu.memory_space<vmem_shared>>
      tpu.wait_dma2 semaphore(%run_scoped3A : memref<!tpu.dma_semaphore, #tpu.memory_space<semaphore_mem>>) src(%dma_wait3A_95 : memref<125x128xf32, #tpu.memory_space<vmem_shared>>) dst(%dma_wait3A_93 : memref<125x128xf32, #tpu.memory_space<hbm>>)
      tpu.yield
    }) : () -> ()
    return
  }
}

#map = affine_map<(d0, d1) -> (0, 0)>
#map1 = affine_map<(d0, d1) -> (0)>
module attributes {stable_mosaic.version = 14 : i64} {
  func.func @_sc_gather(%arg0: i32, %arg1: i32, %arg2: memref<10000x128xf32, #tpu.memory_space<hbm>>, %arg3: memref<10000x16xf32, #tpu.memory_space<hbm>>, %arg4: memref<320000xi32, #tpu.memory_space<hbm>>, %arg5: memref<320000xi32, #tpu.memory_space<hbm>>, %arg6: memref<320000x128xf32, #tpu.memory_space<hbm>>, %arg7: memref<320000x128xf32, #tpu.memory_space<hbm>>, %arg8: memref<320000xf32, #tpu.memory_space<hbm>>, %arg9: memref<80xi32, #tpu.memory_space<vmem>>, %arg10: memref<80xi32, #tpu.memory_space<vmem>>, %arg11: memref<80xi32, #tpu.memory_space<vmem>>, %arg12: memref<80xi32, #tpu.memory_space<vmem>>, %arg13: memref<80x128xf32, #tpu.memory_space<vmem>>, %arg14: memref<80x128xf32, #tpu.memory_space<vmem>>, %arg15: memref<80x128xf32, #tpu.memory_space<vmem>>, %arg16: memref<80x128xf32, #tpu.memory_space<vmem>>, %arg17: memref<80x16xf32, #tpu.memory_space<vmem>>, %arg18: memref<80x16xf32, #tpu.memory_space<vmem>>, %arg19: memref<80x16xf32, #tpu.memory_space<vmem>>, %arg20: memref<80x16xf32, #tpu.memory_space<vmem>>, %arg21: memref<80xf32, #tpu.memory_space<vmem>>, %arg22: memref<80xf32, #tpu.memory_space<vmem>>, %arg23: memref<!tpu.dma_semaphore, #tpu.memory_space<semaphore_mem>>, %arg24: memref<!tpu.dma_semaphore, #tpu.memory_space<semaphore_mem>>, %arg25: memref<!tpu.dma_semaphore, #tpu.memory_space<semaphore_mem>>, %arg26: memref<!tpu.dma_semaphore, #tpu.memory_space<semaphore_mem>>) attributes {dimension_semantics = [#tpu.dimension_semantics<core_parallel>, #tpu.dimension_semantics<subcore_parallel>], iteration_bounds = array<i64: 2, 16>, scalar_prefetch = 0 : i64, scratch_operands = 18 : i64, tpu.core_type = #tpu.core_type<sc_vector_subcore>, window_params = [{transform_indices = #map}, {transform_indices = #map}, {transform_indices = #map1}, {transform_indices = #map1}, {transform_indices = #map}, {transform_indices = #map}, {transform_indices = #map1}]} {
    %mul3A = arith.constant 16 : i32
    %mul3A_0 = arith.muli %arg0, %mul3A : i32
    %add3A = arith.addi %mul3A_0, %arg1 : i32
    %mul3A_1 = arith.constant 10000 : i32
    %mul3A_2 = arith.muli %add3A, %mul3A_1 : i32
    %iota3A = tpu.iota {dimensions = array<i32: 0>} : vector<16xi32>
    %add3A_3 = arith.constant 0 : i32
    %add3A_4 = arith.addi %mul3A_2, %add3A_3 : i32
    "tpu.region"() ({
      %run_scoped3A = tpu.sem_alloc : memref<!tpu.dma_semaphore, #tpu.memory_space<semaphore_mem>>
      %dma_start3A_82 = tpu.memref_slice %arg4[%add3A_4] : memref<320000xi32, #tpu.memory_space<hbm>> -> memref<80xi32, #tpu.memory_space<hbm>>
      %dma_start3A_83 = tpu.memref_slice %arg4[%add3A_4] : memref<320000xi32, #tpu.memory_space<hbm>> -> memref<80xi32, #tpu.memory_space<hbm>>
      tpu.enqueue_dma source(%dma_start3A_83 : memref<80xi32, #tpu.memory_space<hbm>>) target(%arg9 : memref<80xi32, #tpu.memory_space<vmem>>) target_semaphore(%run_scoped3A : memref<!tpu.dma_semaphore, #tpu.memory_space<semaphore_mem>>)
      %dma_wait3A_84 = tpu.memref_slice %arg4[%add3A_4] : memref<320000xi32, #tpu.memory_space<hbm>> -> memref<80xi32, #tpu.memory_space<hbm>>
      %dma_wait3A_85 = tpu.memref_slice %arg4[%add3A_4] : memref<320000xi32, #tpu.memory_space<hbm>> -> memref<80xi32, #tpu.memory_space<hbm>>
      tpu.wait_dma2 semaphore(%run_scoped3A : memref<!tpu.dma_semaphore, #tpu.memory_space<semaphore_mem>>) src(%dma_wait3A_85 : memref<80xi32, #tpu.memory_space<hbm>>) dst(%arg9 : memref<80xi32, #tpu.memory_space<vmem>>)
      tpu.yield
    }) : () -> ()
    "tpu.region"() ({
      %run_scoped3A = tpu.sem_alloc : memref<!tpu.dma_semaphore, #tpu.memory_space<semaphore_mem>>
      %dma_start3A_82 = tpu.memref_slice %arg5[%add3A_4] : memref<320000xi32, #tpu.memory_space<hbm>> -> memref<80xi32, #tpu.memory_space<hbm>>
      %dma_start3A_83 = tpu.memref_slice %arg5[%add3A_4] : memref<320000xi32, #tpu.memory_space<hbm>> -> memref<80xi32, #tpu.memory_space<hbm>>
      tpu.enqueue_dma source(%dma_start3A_83 : memref<80xi32, #tpu.memory_space<hbm>>) target(%arg10 : memref<80xi32, #tpu.memory_space<vmem>>) target_semaphore(%run_scoped3A : memref<!tpu.dma_semaphore, #tpu.memory_space<semaphore_mem>>)
      %dma_wait3A_84 = tpu.memref_slice %arg5[%add3A_4] : memref<320000xi32, #tpu.memory_space<hbm>> -> memref<80xi32, #tpu.memory_space<hbm>>
      %dma_wait3A_85 = tpu.memref_slice %arg5[%add3A_4] : memref<320000xi32, #tpu.memory_space<hbm>> -> memref<80xi32, #tpu.memory_space<hbm>>
      tpu.wait_dma2 semaphore(%run_scoped3A : memref<!tpu.dma_semaphore, #tpu.memory_space<semaphore_mem>>) src(%dma_wait3A_85 : memref<80xi32, #tpu.memory_space<hbm>>) dst(%arg10 : memref<80xi32, #tpu.memory_space<vmem>>)
      tpu.yield
    }) : () -> ()
    %dma_start3A = arith.constant 0 : i32
    %dma_start3A_5 = arith.constant 0 : i32
    %dma_start3A_6 = tpu.memref_slice %arg2[%dma_start3A, %dma_start3A_5] : memref<10000x128xf32, #tpu.memory_space<hbm>> -> memref<10000x128xf32, #tpu.memory_space<hbm>>
    tpu.enqueue_indirect_dma source(%dma_start3A_6 : memref<10000x128xf32, #tpu.memory_space<hbm>>) target(%arg13 : memref<80x128xf32, #tpu.memory_space<vmem>>) offsets(%arg10 : memref<80xi32, #tpu.memory_space<vmem>>) semaphore(%arg23 : memref<!tpu.dma_semaphore, #tpu.memory_space<semaphore_mem>>)
    %dma_start3A_7 = arith.constant 0 : i32
    %dma_start3A_8 = arith.constant 0 : i32
    %dma_start3A_9 = tpu.memref_slice %arg2[%dma_start3A_7, %dma_start3A_8] : memref<10000x128xf32, #tpu.memory_space<hbm>> -> memref<10000x128xf32, #tpu.memory_space<hbm>>
    tpu.enqueue_indirect_dma source(%dma_start3A_9 : memref<10000x128xf32, #tpu.memory_space<hbm>>) target(%arg14 : memref<80x128xf32, #tpu.memory_space<vmem>>) offsets(%arg9 : memref<80xi32, #tpu.memory_space<vmem>>) semaphore(%arg23 : memref<!tpu.dma_semaphore, #tpu.memory_space<semaphore_mem>>)
    %dma_start3A_10 = arith.constant 0 : i32
    %dma_start3A_11 = arith.constant 0 : i32
    %dma_start3A_12 = tpu.memref_slice %arg3[%dma_start3A_10, %dma_start3A_11] : memref<10000x16xf32, #tpu.memory_space<hbm>> -> memref<10000x16xf32, #tpu.memory_space<hbm>>
    tpu.enqueue_indirect_dma source(%dma_start3A_12 : memref<10000x16xf32, #tpu.memory_space<hbm>>) target(%arg17 : memref<80x16xf32, #tpu.memory_space<vmem>>) offsets(%arg9 : memref<80xi32, #tpu.memory_space<vmem>>) semaphore(%arg23 : memref<!tpu.dma_semaphore, #tpu.memory_space<semaphore_mem>>)
    %dma_start3A_13 = arith.constant 0 : i32
    %dma_start3A_14 = arith.constant 0 : i32
    %dma_start3A_15 = tpu.memref_slice %arg3[%dma_start3A_13, %dma_start3A_14] : memref<10000x16xf32, #tpu.memory_space<hbm>> -> memref<10000x16xf32, #tpu.memory_space<hbm>>
    tpu.enqueue_indirect_dma source(%dma_start3A_15 : memref<10000x16xf32, #tpu.memory_space<hbm>>) target(%arg18 : memref<80x16xf32, #tpu.memory_space<vmem>>) offsets(%arg10 : memref<80xi32, #tpu.memory_space<vmem>>) semaphore(%arg23 : memref<!tpu.dma_semaphore, #tpu.memory_space<semaphore_mem>>)
    %scan3A = arith.constant 0 : i32
    %scan3A_16 = arith.constant 0 : i32
    %scan3A_17 = arith.constant 62 : i32
    %scan3A_18 = arith.addi %scan3A_16, %scan3A_17 : i32
    %scan3A_19 = arith.constant 1 : i32
    scf.for %scan3A_82 = %scan3A_16 to %scan3A_18 step %scan3A_19  : i32 {
      %gt3A = arith.constant 0 : i32
      %gt3A_83 = arith.cmpi sgt, %scan3A_82, %gt3A : i32
      %convert_element_type3A = arith.extui %gt3A_83 : i1 to i32
      %cond3A = arith.constant 0 : i32
      %cond3A_84 = arith.cmpi ne, %convert_element_type3A, %cond3A : i32
      scf.if %cond3A_84 {
        %dma_wait3A_207 = arith.constant 0 : i32
        %dma_wait3A_208 = arith.constant 0 : i32
        %dma_wait3A_209 = tpu.memref_slice %arg6[%dma_wait3A_207, %dma_wait3A_208] : memref<320000x128xf32, #tpu.memory_space<hbm>> -> memref<80x128xf32, #tpu.memory_space<hbm>>
        %dma_wait3A_210 = arith.constant 0 : i32
        %dma_wait3A_211 = arith.constant 0 : i32
        %dma_wait3A_212 = tpu.memref_slice %arg6[%dma_wait3A_210, %dma_wait3A_211] : memref<320000x128xf32, #tpu.memory_space<hbm>> -> memref<80x128xf32, #tpu.memory_space<hbm>>
        tpu.wait_dma2 semaphore(%arg26 : memref<!tpu.dma_semaphore, #tpu.memory_space<semaphore_mem>>) src(%arg15 : memref<80x128xf32, #tpu.memory_space<vmem>>) dst(%dma_wait3A_212 : memref<80x128xf32, #tpu.memory_space<hbm>>)
        %dma_wait3A_213 = arith.constant 0 : i32
        %dma_wait3A_214 = arith.constant 0 : i32
        %dma_wait3A_215 = tpu.memref_slice %arg7[%dma_wait3A_213, %dma_wait3A_214] : memref<320000x128xf32, #tpu.memory_space<hbm>> -> memref<80x128xf32, #tpu.memory_space<hbm>>
        %dma_wait3A_216 = arith.constant 0 : i32
        %dma_wait3A_217 = arith.constant 0 : i32
        %dma_wait3A_218 = tpu.memref_slice %arg7[%dma_wait3A_216, %dma_wait3A_217] : memref<320000x128xf32, #tpu.memory_space<hbm>> -> memref<80x128xf32, #tpu.memory_space<hbm>>
        tpu.wait_dma2 semaphore(%arg26 : memref<!tpu.dma_semaphore, #tpu.memory_space<semaphore_mem>>) src(%arg16 : memref<80x128xf32, #tpu.memory_space<vmem>>) dst(%dma_wait3A_218 : memref<80x128xf32, #tpu.memory_space<hbm>>)
        %dma_wait3A_219 = arith.constant 0 : i32
        %dma_wait3A_220 = tpu.memref_slice %arg8[%dma_wait3A_219] : memref<320000xf32, #tpu.memory_space<hbm>> -> memref<80xf32, #tpu.memory_space<hbm>>
        %dma_wait3A_221 = arith.constant 0 : i32
        %dma_wait3A_222 = tpu.memref_slice %arg8[%dma_wait3A_221] : memref<320000xf32, #tpu.memory_space<hbm>> -> memref<80xf32, #tpu.memory_space<hbm>>
        tpu.wait_dma2 semaphore(%arg26 : memref<!tpu.dma_semaphore, #tpu.memory_space<semaphore_mem>>) src(%arg22 : memref<80xf32, #tpu.memory_space<vmem>>) dst(%dma_wait3A_222 : memref<80xf32, #tpu.memory_space<hbm>>)
      } else {
      }
      %mul3A_85 = arith.constant 2 : i32
      %mul3A_86 = arith.muli %mul3A_85, %scan3A_82 : i32
      %add3A_87 = arith.constant 1 : i32
      %add3A_88 = arith.addi %mul3A_86, %add3A_87 : i32
      %mul3A_89 = arith.constant 80 : i32
      %mul3A_90 = arith.muli %add3A_88, %mul3A_89 : i32
      %add3A_91 = arith.addi %mul3A_2, %mul3A_90 : i32
      "tpu.region"() ({
        %run_scoped3A = tpu.sem_alloc : memref<!tpu.dma_semaphore, #tpu.memory_space<semaphore_mem>>
        %dma_start3A_207 = tpu.memref_slice %arg4[%add3A_91] : memref<320000xi32, #tpu.memory_space<hbm>> -> memref<80xi32, #tpu.memory_space<hbm>>
        %dma_start3A_208 = tpu.memref_slice %arg4[%add3A_91] : memref<320000xi32, #tpu.memory_space<hbm>> -> memref<80xi32, #tpu.memory_space<hbm>>
        tpu.enqueue_dma source(%dma_start3A_208 : memref<80xi32, #tpu.memory_space<hbm>>) target(%arg11 : memref<80xi32, #tpu.memory_space<vmem>>) target_semaphore(%run_scoped3A : memref<!tpu.dma_semaphore, #tpu.memory_space<semaphore_mem>>)
        %dma_wait3A_209 = tpu.memref_slice %arg4[%add3A_91] : memref<320000xi32, #tpu.memory_space<hbm>> -> memref<80xi32, #tpu.memory_space<hbm>>
        %dma_wait3A_210 = tpu.memref_slice %arg4[%add3A_91] : memref<320000xi32, #tpu.memory_space<hbm>> -> memref<80xi32, #tpu.memory_space<hbm>>
        tpu.wait_dma2 semaphore(%run_scoped3A : memref<!tpu.dma_semaphore, #tpu.memory_space<semaphore_mem>>) src(%dma_wait3A_210 : memref<80xi32, #tpu.memory_space<hbm>>) dst(%arg11 : memref<80xi32, #tpu.memory_space<vmem>>)
        tpu.yield
      }) : () -> ()
      "tpu.region"() ({
        %run_scoped3A = tpu.sem_alloc : memref<!tpu.dma_semaphore, #tpu.memory_space<semaphore_mem>>
        %dma_start3A_207 = tpu.memref_slice %arg5[%add3A_91] : memref<320000xi32, #tpu.memory_space<hbm>> -> memref<80xi32, #tpu.memory_space<hbm>>
        %dma_start3A_208 = tpu.memref_slice %arg5[%add3A_91] : memref<320000xi32, #tpu.memory_space<hbm>> -> memref<80xi32, #tpu.memory_space<hbm>>
        tpu.enqueue_dma source(%dma_start3A_208 : memref<80xi32, #tpu.memory_space<hbm>>) target(%arg12 : memref<80xi32, #tpu.memory_space<vmem>>) target_semaphore(%run_scoped3A : memref<!tpu.dma_semaphore, #tpu.memory_space<semaphore_mem>>)
        %dma_wait3A_209 = tpu.memref_slice %arg5[%add3A_91] : memref<320000xi32, #tpu.memory_space<hbm>> -> memref<80xi32, #tpu.memory_space<hbm>>
        %dma_wait3A_210 = tpu.memref_slice %arg5[%add3A_91] : memref<320000xi32, #tpu.memory_space<hbm>> -> memref<80xi32, #tpu.memory_space<hbm>>
        tpu.wait_dma2 semaphore(%run_scoped3A : memref<!tpu.dma_semaphore, #tpu.memory_space<semaphore_mem>>) src(%dma_wait3A_210 : memref<80xi32, #tpu.memory_space<hbm>>) dst(%arg12 : memref<80xi32, #tpu.memory_space<vmem>>)
        tpu.yield
      }) : () -> ()
      %dma_start3A_92 = arith.constant 0 : i32
      %dma_start3A_93 = arith.constant 0 : i32
      %dma_start3A_94 = tpu.memref_slice %arg2[%dma_start3A_92, %dma_start3A_93] : memref<10000x128xf32, #tpu.memory_space<hbm>> -> memref<10000x128xf32, #tpu.memory_space<hbm>>
      tpu.enqueue_indirect_dma source(%dma_start3A_94 : memref<10000x128xf32, #tpu.memory_space<hbm>>) target(%arg15 : memref<80x128xf32, #tpu.memory_space<vmem>>) offsets(%arg12 : memref<80xi32, #tpu.memory_space<vmem>>) semaphore(%arg24 : memref<!tpu.dma_semaphore, #tpu.memory_space<semaphore_mem>>)
      %dma_start3A_95 = arith.constant 0 : i32
      %dma_start3A_96 = arith.constant 0 : i32
      %dma_start3A_97 = tpu.memref_slice %arg2[%dma_start3A_95, %dma_start3A_96] : memref<10000x128xf32, #tpu.memory_space<hbm>> -> memref<10000x128xf32, #tpu.memory_space<hbm>>
      tpu.enqueue_indirect_dma source(%dma_start3A_97 : memref<10000x128xf32, #tpu.memory_space<hbm>>) target(%arg16 : memref<80x128xf32, #tpu.memory_space<vmem>>) offsets(%arg11 : memref<80xi32, #tpu.memory_space<vmem>>) semaphore(%arg24 : memref<!tpu.dma_semaphore, #tpu.memory_space<semaphore_mem>>)
      %dma_start3A_98 = arith.constant 0 : i32
      %dma_start3A_99 = arith.constant 0 : i32
      %dma_start3A_100 = tpu.memref_slice %arg3[%dma_start3A_98, %dma_start3A_99] : memref<10000x16xf32, #tpu.memory_space<hbm>> -> memref<10000x16xf32, #tpu.memory_space<hbm>>
      tpu.enqueue_indirect_dma source(%dma_start3A_100 : memref<10000x16xf32, #tpu.memory_space<hbm>>) target(%arg19 : memref<80x16xf32, #tpu.memory_space<vmem>>) offsets(%arg11 : memref<80xi32, #tpu.memory_space<vmem>>) semaphore(%arg24 : memref<!tpu.dma_semaphore, #tpu.memory_space<semaphore_mem>>)
      %dma_start3A_101 = arith.constant 0 : i32
      %dma_start3A_102 = arith.constant 0 : i32
      %dma_start3A_103 = tpu.memref_slice %arg3[%dma_start3A_101, %dma_start3A_102] : memref<10000x16xf32, #tpu.memory_space<hbm>> -> memref<10000x16xf32, #tpu.memory_space<hbm>>
      tpu.enqueue_indirect_dma source(%dma_start3A_103 : memref<10000x16xf32, #tpu.memory_space<hbm>>) target(%arg20 : memref<80x16xf32, #tpu.memory_space<vmem>>) offsets(%arg12 : memref<80xi32, #tpu.memory_space<vmem>>) semaphore(%arg24 : memref<!tpu.dma_semaphore, #tpu.memory_space<semaphore_mem>>)
      %dma_wait3A_104 = arith.constant 0 : i32
      %dma_wait3A_105 = arith.constant 0 : i32
      %dma_wait3A_106 = tpu.memref_slice %arg2[%dma_wait3A_104, %dma_wait3A_105] : memref<10000x128xf32, #tpu.memory_space<hbm>> -> memref<10000x128xf32, #tpu.memory_space<hbm>>
      tpu.wait_indirect_dma semaphore(%arg23 : memref<!tpu.dma_semaphore, #tpu.memory_space<semaphore_mem>>) src(%dma_wait3A_106 : memref<10000x128xf32, #tpu.memory_space<hbm>>) dst(%arg13 : memref<80x128xf32, #tpu.memory_space<vmem>>)
      %dma_wait3A_107 = arith.constant 0 : i32
      %dma_wait3A_108 = arith.constant 0 : i32
      %dma_wait3A_109 = tpu.memref_slice %arg2[%dma_wait3A_107, %dma_wait3A_108] : memref<10000x128xf32, #tpu.memory_space<hbm>> -> memref<10000x128xf32, #tpu.memory_space<hbm>>
      tpu.wait_indirect_dma semaphore(%arg23 : memref<!tpu.dma_semaphore, #tpu.memory_space<semaphore_mem>>) src(%dma_wait3A_109 : memref<10000x128xf32, #tpu.memory_space<hbm>>) dst(%arg14 : memref<80x128xf32, #tpu.memory_space<vmem>>)
      %dma_wait3A_110 = arith.constant 0 : i32
      %dma_wait3A_111 = arith.constant 0 : i32
      %dma_wait3A_112 = tpu.memref_slice %arg3[%dma_wait3A_110, %dma_wait3A_111] : memref<10000x16xf32, #tpu.memory_space<hbm>> -> memref<10000x16xf32, #tpu.memory_space<hbm>>
      tpu.wait_indirect_dma semaphore(%arg23 : memref<!tpu.dma_semaphore, #tpu.memory_space<semaphore_mem>>) src(%dma_wait3A_112 : memref<10000x16xf32, #tpu.memory_space<hbm>>) dst(%arg17 : memref<80x16xf32, #tpu.memory_space<vmem>>)
      %dma_wait3A_113 = arith.constant 0 : i32
      %dma_wait3A_114 = arith.constant 0 : i32
      %dma_wait3A_115 = tpu.memref_slice %arg3[%dma_wait3A_113, %dma_wait3A_114] : memref<10000x16xf32, #tpu.memory_space<hbm>> -> memref<10000x16xf32, #tpu.memory_space<hbm>>
      tpu.wait_indirect_dma semaphore(%arg23 : memref<!tpu.dma_semaphore, #tpu.memory_space<semaphore_mem>>) src(%dma_wait3A_115 : memref<10000x16xf32, #tpu.memory_space<hbm>>) dst(%arg18 : memref<80x16xf32, #tpu.memory_space<vmem>>)
      %scan3A_116 = arith.constant 0 : i32
      %scan3A_117 = arith.constant 0 : i32
      %scan3A_118 = arith.constant 5 : i32
      %scan3A_119 = arith.addi %scan3A_117, %scan3A_118 : i32
      %scan3A_120 = arith.constant 1 : i32
      scf.for %scan3A_207 = %scan3A_117 to %scan3A_119 step %scan3A_120  : i32 {
        %broadcast_in_dim3A = arith.constant 0.000000e+00 : f32
        %broadcast_in_dim3A_208 = vector.broadcast %broadcast_in_dim3A : f32 to vector<16xf32>
        %scan3A_209 = arith.constant 0 : i32
        %scan3A_210 = arith.constant 16 : i32
        %scan3A_211 = arith.addi %scan3A_209, %scan3A_210 : i32
        %scan3A_212 = arith.constant 1 : i32
        %scan3A_213 = scf.for %scan3A_220 = %scan3A_209 to %scan3A_211 step %scan3A_212 iter_args(%scan3A_221 = %broadcast_in_dim3A_208) -> (vector<16xf32>)  : i32 {
          %mul3A_222 = arith.constant 16 : i32
          %mul3A_223 = arith.muli %scan3A_207, %mul3A_222 : i32
          %add3A_224 = arith.addi %mul3A_223, %scan3A_220 : i32
          %get3A = arith.index_cast %add3A_224 : i32 to index
          %get3A_225 = arith.constant 0 : index
          %get3A_226 = tpu.vector_load %arg17[%get3A, %get3A_225] {strides = array<i32>} : memref<80x16xf32, #tpu.memory_space<vmem>>, vector<1x16xf32>,
          %get3A_227 = vector.shape_cast %get3A_226 : vector<1x16xf32> to vector<16xf32>
          %get3A_228 = arith.index_cast %add3A_224 : i32 to index
          %get3A_229 = arith.constant 0 : index
          %get3A_230 = tpu.vector_load %arg18[%get3A_228, %get3A_229] {strides = array<i32>} : memref<80x16xf32, #tpu.memory_space<vmem>>, vector<1x16xf32>,
          %get3A_231 = vector.shape_cast %get3A_230 : vector<1x16xf32> to vector<16xf32>
          %sub3A = arith.subf %get3A_227, %get3A_231 : vector<16xf32>
          %mul3A_232 = arith.mulf %sub3A, %sub3A : vector<16xf32>
          %slice3A = vector.extract_strided_slice %mul3A_232 {offsets = [0], sizes = [1], strides = [1]} : vector<16xf32> to vector<1xf32>
          %squeeze3A = vector.extract %slice3A[0] : f32 from vector<1xf32>
          %slice3A_233 = vector.extract_strided_slice %mul3A_232 {offsets = [1], sizes = [1], strides = [1]} : vector<16xf32> to vector<1xf32>
          %squeeze3A_234 = vector.extract %slice3A_233[0] : f32 from vector<1xf32>
          %add3A_235 = arith.addf %squeeze3A, %squeeze3A_234 : f32
          %slice3A_236 = vector.extract_strided_slice %mul3A_232 {offsets = [2], sizes = [1], strides = [1]} : vector<16xf32> to vector<1xf32>
          %squeeze3A_237 = vector.extract %slice3A_236[0] : f32 from vector<1xf32>
          %add3A_238 = arith.addf %add3A_235, %squeeze3A_237 : f32
          %eq3A = vector.broadcast %scan3A_220 : i32 to vector<16xi32>
          %eq3A_239 = arith.cmpi eq, %iota3A, %eq3A : vector<16xi32>
          %broadcast_in_dim3A_240 = vector.broadcast %add3A_238 : f32 to vector<16xf32>
          %select_n3A = arith.select %eq3A_239, %broadcast_in_dim3A_240, %scan3A_221 : vector<16xi1>, vector<16xf32>
          scf.yield %select_n3A : vector<16xf32>
        }
        %scan3A_214 = arith.constant 16 : i32
        %mul3A_215 = arith.constant 16 : i32
        %mul3A_216 = arith.muli %scan3A_207, %mul3A_215 : i32
        %swap3A = arith.index_cast %mul3A_216 : i32 to index
        %swap3A_217 = tpu.vector_load %arg21[%swap3A] {strides = array<i32>} : memref<80xf32, #tpu.memory_space<vmem>>, vector<16xf32>,
        %swap3A_218 = vector.shape_cast %swap3A_217 : vector<16xf32> to vector<16xf32>
        %swap3A_219 = vector.shape_cast %scan3A_213 : vector<16xf32> to vector<16xf32>
        tpu.vector_store %arg21[%swap3A], %swap3A_219 {strides = array<i32>} : memref<80xf32, #tpu.memory_space<vmem>>, vector<16xf32>,
      }
      %scan3A_121 = arith.constant 5 : i32
      %mul3A_122 = arith.constant 2 : i32
      %mul3A_123 = arith.muli %mul3A_122, %scan3A_82 : i32
      %mul3A_124 = arith.constant 80 : i32
      %mul3A_125 = arith.muli %mul3A_123, %mul3A_124 : i32
      %add3A_126 = arith.addi %mul3A_2, %mul3A_125 : i32
      %dma_start3A_127 = arith.constant 0 : i32
      %dma_start3A_128 = tpu.memref_slice %arg6[%add3A_126, %dma_start3A_127] : memref<320000x128xf32, #tpu.memory_space<hbm>> -> memref<80x128xf32, #tpu.memory_space<hbm>>
      %dma_start3A_129 = arith.constant 0 : i32
      %dma_start3A_130 = tpu.memref_slice %arg6[%add3A_126, %dma_start3A_129] : memref<320000x128xf32, #tpu.memory_space<hbm>> -> memref<80x128xf32, #tpu.memory_space<hbm>>
      tpu.enqueue_dma source(%arg13 : memref<80x128xf32, #tpu.memory_space<vmem>>) target(%dma_start3A_130 : memref<80x128xf32, #tpu.memory_space<hbm>>) target_semaphore(%arg25 : memref<!tpu.dma_semaphore, #tpu.memory_space<semaphore_mem>>)
      %dma_start3A_131 = arith.constant 0 : i32
      %dma_start3A_132 = tpu.memref_slice %arg7[%add3A_126, %dma_start3A_131] : memref<320000x128xf32, #tpu.memory_space<hbm>> -> memref<80x128xf32, #tpu.memory_space<hbm>>
      %dma_start3A_133 = arith.constant 0 : i32
      %dma_start3A_134 = tpu.memref_slice %arg7[%add3A_126, %dma_start3A_133] : memref<320000x128xf32, #tpu.memory_space<hbm>> -> memref<80x128xf32, #tpu.memory_space<hbm>>
      tpu.enqueue_dma source(%arg14 : memref<80x128xf32, #tpu.memory_space<vmem>>) target(%dma_start3A_134 : memref<80x128xf32, #tpu.memory_space<hbm>>) target_semaphore(%arg25 : memref<!tpu.dma_semaphore, #tpu.memory_space<semaphore_mem>>)
      %dma_start3A_135 = tpu.memref_slice %arg8[%add3A_126] : memref<320000xf32, #tpu.memory_space<hbm>> -> memref<80xf32, #tpu.memory_space<hbm>>
      %dma_start3A_136 = tpu.memref_slice %arg8[%add3A_126] : memref<320000xf32, #tpu.memory_space<hbm>> -> memref<80xf32, #tpu.memory_space<hbm>>
      tpu.enqueue_dma source(%arg21 : memref<80xf32, #tpu.memory_space<vmem>>) target(%dma_start3A_136 : memref<80xf32, #tpu.memory_space<hbm>>) target_semaphore(%arg25 : memref<!tpu.dma_semaphore, #tpu.memory_space<semaphore_mem>>)
      %dma_wait3A_137 = arith.constant 0 : i32
      %dma_wait3A_138 = arith.constant 0 : i32
      %dma_wait3A_139 = tpu.memref_slice %arg2[%dma_wait3A_137, %dma_wait3A_138] : memref<10000x128xf32, #tpu.memory_space<hbm>> -> memref<10000x128xf32, #tpu.memory_space<hbm>>
      tpu.wait_indirect_dma semaphore(%arg24 : memref<!tpu.dma_semaphore, #tpu.memory_space<semaphore_mem>>) src(%dma_wait3A_139 : memref<10000x128xf32, #tpu.memory_space<hbm>>) dst(%arg15 : memref<80x128xf32, #tpu.memory_space<vmem>>)
      %dma_wait3A_140 = arith.constant 0 : i32
      %dma_wait3A_141 = arith.constant 0 : i32
      %dma_wait3A_142 = tpu.memref_slice %arg2[%dma_wait3A_140, %dma_wait3A_141] : memref<10000x128xf32, #tpu.memory_space<hbm>> -> memref<10000x128xf32, #tpu.memory_space<hbm>>
      tpu.wait_indirect_dma semaphore(%arg24 : memref<!tpu.dma_semaphore, #tpu.memory_space<semaphore_mem>>) src(%dma_wait3A_142 : memref<10000x128xf32, #tpu.memory_space<hbm>>) dst(%arg16 : memref<80x128xf32, #tpu.memory_space<vmem>>)
      %dma_wait3A_143 = arith.constant 0 : i32
      %dma_wait3A_144 = arith.constant 0 : i32
      %dma_wait3A_145 = tpu.memref_slice %arg3[%dma_wait3A_143, %dma_wait3A_144] : memref<10000x16xf32, #tpu.memory_space<hbm>> -> memref<10000x16xf32, #tpu.memory_space<hbm>>
      tpu.wait_indirect_dma semaphore(%arg24 : memref<!tpu.dma_semaphore, #tpu.memory_space<semaphore_mem>>) src(%dma_wait3A_145 : memref<10000x16xf32, #tpu.memory_space<hbm>>) dst(%arg19 : memref<80x16xf32, #tpu.memory_space<vmem>>)
      %dma_wait3A_146 = arith.constant 0 : i32
      %dma_wait3A_147 = arith.constant 0 : i32
      %dma_wait3A_148 = tpu.memref_slice %arg3[%dma_wait3A_146, %dma_wait3A_147] : memref<10000x16xf32, #tpu.memory_space<hbm>> -> memref<10000x16xf32, #tpu.memory_space<hbm>>
      tpu.wait_indirect_dma semaphore(%arg24 : memref<!tpu.dma_semaphore, #tpu.memory_space<semaphore_mem>>) src(%dma_wait3A_148 : memref<10000x16xf32, #tpu.memory_space<hbm>>) dst(%arg20 : memref<80x16xf32, #tpu.memory_space<vmem>>)
      %scan3A_149 = arith.constant 0 : i32
      %scan3A_150 = arith.constant 0 : i32
      %scan3A_151 = arith.constant 5 : i32
      %scan3A_152 = arith.addi %scan3A_150, %scan3A_151 : i32
      %scan3A_153 = arith.constant 1 : i32
      scf.for %scan3A_207 = %scan3A_150 to %scan3A_152 step %scan3A_153  : i32 {
        %broadcast_in_dim3A = arith.constant 0.000000e+00 : f32
        %broadcast_in_dim3A_208 = vector.broadcast %broadcast_in_dim3A : f32 to vector<16xf32>
        %scan3A_209 = arith.constant 0 : i32
        %scan3A_210 = arith.constant 16 : i32
        %scan3A_211 = arith.addi %scan3A_209, %scan3A_210 : i32
        %scan3A_212 = arith.constant 1 : i32
        %scan3A_213 = scf.for %scan3A_220 = %scan3A_209 to %scan3A_211 step %scan3A_212 iter_args(%scan3A_221 = %broadcast_in_dim3A_208) -> (vector<16xf32>)  : i32 {
          %mul3A_222 = arith.constant 16 : i32
          %mul3A_223 = arith.muli %scan3A_207, %mul3A_222 : i32
          %add3A_224 = arith.addi %mul3A_223, %scan3A_220 : i32
          %get3A = arith.index_cast %add3A_224 : i32 to index
          %get3A_225 = arith.constant 0 : index
          %get3A_226 = tpu.vector_load %arg19[%get3A, %get3A_225] {strides = array<i32>} : memref<80x16xf32, #tpu.memory_space<vmem>>, vector<1x16xf32>,
          %get3A_227 = vector.shape_cast %get3A_226 : vector<1x16xf32> to vector<16xf32>
          %get3A_228 = arith.index_cast %add3A_224 : i32 to index
          %get3A_229 = arith.constant 0 : index
          %get3A_230 = tpu.vector_load %arg20[%get3A_228, %get3A_229] {strides = array<i32>} : memref<80x16xf32, #tpu.memory_space<vmem>>, vector<1x16xf32>,
          %get3A_231 = vector.shape_cast %get3A_230 : vector<1x16xf32> to vector<16xf32>
          %sub3A = arith.subf %get3A_227, %get3A_231 : vector<16xf32>
          %mul3A_232 = arith.mulf %sub3A, %sub3A : vector<16xf32>
          %slice3A = vector.extract_strided_slice %mul3A_232 {offsets = [0], sizes = [1], strides = [1]} : vector<16xf32> to vector<1xf32>
          %squeeze3A = vector.extract %slice3A[0] : f32 from vector<1xf32>
          %slice3A_233 = vector.extract_strided_slice %mul3A_232 {offsets = [1], sizes = [1], strides = [1]} : vector<16xf32> to vector<1xf32>
          %squeeze3A_234 = vector.extract %slice3A_233[0] : f32 from vector<1xf32>
          %add3A_235 = arith.addf %squeeze3A, %squeeze3A_234 : f32
          %slice3A_236 = vector.extract_strided_slice %mul3A_232 {offsets = [2], sizes = [1], strides = [1]} : vector<16xf32> to vector<1xf32>
          %squeeze3A_237 = vector.extract %slice3A_236[0] : f32 from vector<1xf32>
          %add3A_238 = arith.addf %add3A_235, %squeeze3A_237 : f32
          %eq3A = vector.broadcast %scan3A_220 : i32 to vector<16xi32>
          %eq3A_239 = arith.cmpi eq, %iota3A, %eq3A : vector<16xi32>
          %broadcast_in_dim3A_240 = vector.broadcast %add3A_238 : f32 to vector<16xf32>
          %select_n3A = arith.select %eq3A_239, %broadcast_in_dim3A_240, %scan3A_221 : vector<16xi1>, vector<16xf32>
          scf.yield %select_n3A : vector<16xf32>
        }
        %scan3A_214 = arith.constant 16 : i32
        %mul3A_215 = arith.constant 16 : i32
        %mul3A_216 = arith.muli %scan3A_207, %mul3A_215 : i32
        %swap3A = arith.index_cast %mul3A_216 : i32 to index
        %swap3A_217 = tpu.vector_load %arg22[%swap3A] {strides = array<i32>} : memref<80xf32, #tpu.memory_space<vmem>>, vector<16xf32>,
        %swap3A_218 = vector.shape_cast %swap3A_217 : vector<16xf32> to vector<16xf32>
        %swap3A_219 = vector.shape_cast %scan3A_213 : vector<16xf32> to vector<16xf32>
        tpu.vector_store %arg22[%swap3A], %swap3A_219 {strides = array<i32>} : memref<80xf32, #tpu.memory_space<vmem>>, vector<16xf32>,
      }
      %scan3A_154 = arith.constant 5 : i32
      %mul3A_155 = arith.constant 2 : i32
      %mul3A_156 = arith.muli %mul3A_155, %scan3A_82 : i32
      %add3A_157 = arith.constant 1 : i32
      %add3A_158 = arith.addi %mul3A_156, %add3A_157 : i32
      %mul3A_159 = arith.constant 80 : i32
      %mul3A_160 = arith.muli %add3A_158, %mul3A_159 : i32
      %add3A_161 = arith.addi %mul3A_2, %mul3A_160 : i32
      %dma_start3A_162 = arith.constant 0 : i32
      %dma_start3A_163 = tpu.memref_slice %arg6[%add3A_161, %dma_start3A_162] : memref<320000x128xf32, #tpu.memory_space<hbm>> -> memref<80x128xf32, #tpu.memory_space<hbm>>
      %dma_start3A_164 = arith.constant 0 : i32
      %dma_start3A_165 = tpu.memref_slice %arg6[%add3A_161, %dma_start3A_164] : memref<320000x128xf32, #tpu.memory_space<hbm>> -> memref<80x128xf32, #tpu.memory_space<hbm>>
      tpu.enqueue_dma source(%arg15 : memref<80x128xf32, #tpu.memory_space<vmem>>) target(%dma_start3A_165 : memref<80x128xf32, #tpu.memory_space<hbm>>) target_semaphore(%arg26 : memref<!tpu.dma_semaphore, #tpu.memory_space<semaphore_mem>>)
      %dma_start3A_166 = arith.constant 0 : i32
      %dma_start3A_167 = tpu.memref_slice %arg7[%add3A_161, %dma_start3A_166] : memref<320000x128xf32, #tpu.memory_space<hbm>> -> memref<80x128xf32, #tpu.memory_space<hbm>>
      %dma_start3A_168 = arith.constant 0 : i32
      %dma_start3A_169 = tpu.memref_slice %arg7[%add3A_161, %dma_start3A_168] : memref<320000x128xf32, #tpu.memory_space<hbm>> -> memref<80x128xf32, #tpu.memory_space<hbm>>
      tpu.enqueue_dma source(%arg16 : memref<80x128xf32, #tpu.memory_space<vmem>>) target(%dma_start3A_169 : memref<80x128xf32, #tpu.memory_space<hbm>>) target_semaphore(%arg26 : memref<!tpu.dma_semaphore, #tpu.memory_space<semaphore_mem>>)
      %dma_start3A_170 = tpu.memref_slice %arg8[%add3A_161] : memref<320000xf32, #tpu.memory_space<hbm>> -> memref<80xf32, #tpu.memory_space<hbm>>
      %dma_start3A_171 = tpu.memref_slice %arg8[%add3A_161] : memref<320000xf32, #tpu.memory_space<hbm>> -> memref<80xf32, #tpu.memory_space<hbm>>
      tpu.enqueue_dma source(%arg22 : memref<80xf32, #tpu.memory_space<vmem>>) target(%dma_start3A_171 : memref<80xf32, #tpu.memory_space<hbm>>) target_semaphore(%arg26 : memref<!tpu.dma_semaphore, #tpu.memory_space<semaphore_mem>>)
      %dma_wait3A_172 = arith.constant 0 : i32
      %dma_wait3A_173 = arith.constant 0 : i32
      %dma_wait3A_174 = tpu.memref_slice %arg6[%dma_wait3A_172, %dma_wait3A_173] : memref<320000x128xf32, #tpu.memory_space<hbm>> -> memref<80x128xf32, #tpu.memory_space<hbm>>
      %dma_wait3A_175 = arith.constant 0 : i32
      %dma_wait3A_176 = arith.constant 0 : i32
      %dma_wait3A_177 = tpu.memref_slice %arg6[%dma_wait3A_175, %dma_wait3A_176] : memref<320000x128xf32, #tpu.memory_space<hbm>> -> memref<80x128xf32, #tpu.memory_space<hbm>>
      tpu.wait_dma2 semaphore(%arg25 : memref<!tpu.dma_semaphore, #tpu.memory_space<semaphore_mem>>) src(%arg13 : memref<80x128xf32, #tpu.memory_space<vmem>>) dst(%dma_wait3A_177 : memref<80x128xf32, #tpu.memory_space<hbm>>)
      %dma_wait3A_178 = arith.constant 0 : i32
      %dma_wait3A_179 = arith.constant 0 : i32
      %dma_wait3A_180 = tpu.memref_slice %arg7[%dma_wait3A_178, %dma_wait3A_179] : memref<320000x128xf32, #tpu.memory_space<hbm>> -> memref<80x128xf32, #tpu.memory_space<hbm>>
      %dma_wait3A_181 = arith.constant 0 : i32
      %dma_wait3A_182 = arith.constant 0 : i32
      %dma_wait3A_183 = tpu.memref_slice %arg7[%dma_wait3A_181, %dma_wait3A_182] : memref<320000x128xf32, #tpu.memory_space<hbm>> -> memref<80x128xf32, #tpu.memory_space<hbm>>
      tpu.wait_dma2 semaphore(%arg25 : memref<!tpu.dma_semaphore, #tpu.memory_space<semaphore_mem>>) src(%arg14 : memref<80x128xf32, #tpu.memory_space<vmem>>) dst(%dma_wait3A_183 : memref<80x128xf32, #tpu.memory_space<hbm>>)
      %dma_wait3A_184 = arith.constant 0 : i32
      %dma_wait3A_185 = tpu.memref_slice %arg8[%dma_wait3A_184] : memref<320000xf32, #tpu.memory_space<hbm>> -> memref<80xf32, #tpu.memory_space<hbm>>
      %dma_wait3A_186 = arith.constant 0 : i32
      %dma_wait3A_187 = tpu.memref_slice %arg8[%dma_wait3A_186] : memref<320000xf32, #tpu.memory_space<hbm>> -> memref<80xf32, #tpu.memory_space<hbm>>
      tpu.wait_dma2 semaphore(%arg25 : memref<!tpu.dma_semaphore, #tpu.memory_space<semaphore_mem>>) src(%arg21 : memref<80xf32, #tpu.memory_space<vmem>>) dst(%dma_wait3A_187 : memref<80xf32, #tpu.memory_space<hbm>>)
      %mul3A_188 = arith.constant 2 : i32
      %mul3A_189 = arith.muli %mul3A_188, %scan3A_82 : i32
      %add3A_190 = arith.constant 2 : i32
      %add3A_191 = arith.addi %mul3A_189, %add3A_190 : i32
      %mul3A_192 = arith.constant 80 : i32
      %mul3A_193 = arith.muli %add3A_191, %mul3A_192 : i32
      %add3A_194 = arith.addi %mul3A_2, %mul3A_193 : i32
      "tpu.region"() ({
        %run_scoped3A = tpu.sem_alloc : memref<!tpu.dma_semaphore, #tpu.memory_space<semaphore_mem>>
        %dma_start3A_207 = tpu.memref_slice %arg4[%add3A_194] : memref<320000xi32, #tpu.memory_space<hbm>> -> memref<80xi32, #tpu.memory_space<hbm>>
        %dma_start3A_208 = tpu.memref_slice %arg4[%add3A_194] : memref<320000xi32, #tpu.memory_space<hbm>> -> memref<80xi32, #tpu.memory_space<hbm>>
        tpu.enqueue_dma source(%dma_start3A_208 : memref<80xi32, #tpu.memory_space<hbm>>) target(%arg9 : memref<80xi32, #tpu.memory_space<vmem>>) target_semaphore(%run_scoped3A : memref<!tpu.dma_semaphore, #tpu.memory_space<semaphore_mem>>)
        %dma_wait3A_209 = tpu.memref_slice %arg4[%add3A_194] : memref<320000xi32, #tpu.memory_space<hbm>> -> memref<80xi32, #tpu.memory_space<hbm>>
        %dma_wait3A_210 = tpu.memref_slice %arg4[%add3A_194] : memref<320000xi32, #tpu.memory_space<hbm>> -> memref<80xi32, #tpu.memory_space<hbm>>
        tpu.wait_dma2 semaphore(%run_scoped3A : memref<!tpu.dma_semaphore, #tpu.memory_space<semaphore_mem>>) src(%dma_wait3A_210 : memref<80xi32, #tpu.memory_space<hbm>>) dst(%arg9 : memref<80xi32, #tpu.memory_space<vmem>>)
        tpu.yield
      }) : () -> ()
      "tpu.region"() ({
        %run_scoped3A = tpu.sem_alloc : memref<!tpu.dma_semaphore, #tpu.memory_space<semaphore_mem>>
        %dma_start3A_207 = tpu.memref_slice %arg5[%add3A_194] : memref<320000xi32, #tpu.memory_space<hbm>> -> memref<80xi32, #tpu.memory_space<hbm>>
        %dma_start3A_208 = tpu.memref_slice %arg5[%add3A_194] : memref<320000xi32, #tpu.memory_space<hbm>> -> memref<80xi32, #tpu.memory_space<hbm>>
        tpu.enqueue_dma source(%dma_start3A_208 : memref<80xi32, #tpu.memory_space<hbm>>) target(%arg10 : memref<80xi32, #tpu.memory_space<vmem>>) target_semaphore(%run_scoped3A : memref<!tpu.dma_semaphore, #tpu.memory_space<semaphore_mem>>)
        %dma_wait3A_209 = tpu.memref_slice %arg5[%add3A_194] : memref<320000xi32, #tpu.memory_space<hbm>> -> memref<80xi32, #tpu.memory_space<hbm>>
        %dma_wait3A_210 = tpu.memref_slice %arg5[%add3A_194] : memref<320000xi32, #tpu.memory_space<hbm>> -> memref<80xi32, #tpu.memory_space<hbm>>
        tpu.wait_dma2 semaphore(%run_scoped3A : memref<!tpu.dma_semaphore, #tpu.memory_space<semaphore_mem>>) src(%dma_wait3A_210 : memref<80xi32, #tpu.memory_space<hbm>>) dst(%arg10 : memref<80xi32, #tpu.memory_space<vmem>>)
        tpu.yield
      }) : () -> ()
      %dma_start3A_195 = arith.constant 0 : i32
      %dma_start3A_196 = arith.constant 0 : i32
      %dma_start3A_197 = tpu.memref_slice %arg2[%dma_start3A_195, %dma_start3A_196] : memref<10000x128xf32, #tpu.memory_space<hbm>> -> memref<10000x128xf32, #tpu.memory_space<hbm>>
      tpu.enqueue_indirect_dma source(%dma_start3A_197 : memref<10000x128xf32, #tpu.memory_space<hbm>>) target(%arg13 : memref<80x128xf32, #tpu.memory_space<vmem>>) offsets(%arg10 : memref<80xi32, #tpu.memory_space<vmem>>) semaphore(%arg23 : memref<!tpu.dma_semaphore, #tpu.memory_space<semaphore_mem>>)
      %dma_start3A_198 = arith.constant 0 : i32
      %dma_start3A_199 = arith.constant 0 : i32
      %dma_start3A_200 = tpu.memref_slice %arg2[%dma_start3A_198, %dma_start3A_199] : memref<10000x128xf32, #tpu.memory_space<hbm>> -> memref<10000x128xf32, #tpu.memory_space<hbm>>
      tpu.enqueue_indirect_dma source(%dma_start3A_200 : memref<10000x128xf32, #tpu.memory_space<hbm>>) target(%arg14 : memref<80x128xf32, #tpu.memory_space<vmem>>) offsets(%arg9 : memref<80xi32, #tpu.memory_space<vmem>>) semaphore(%arg23 : memref<!tpu.dma_semaphore, #tpu.memory_space<semaphore_mem>>)
      %dma_start3A_201 = arith.constant 0 : i32
      %dma_start3A_202 = arith.constant 0 : i32
      %dma_start3A_203 = tpu.memref_slice %arg3[%dma_start3A_201, %dma_start3A_202] : memref<10000x16xf32, #tpu.memory_space<hbm>> -> memref<10000x16xf32, #tpu.memory_space<hbm>>
      tpu.enqueue_indirect_dma source(%dma_start3A_203 : memref<10000x16xf32, #tpu.memory_space<hbm>>) target(%arg17 : memref<80x16xf32, #tpu.memory_space<vmem>>) offsets(%arg9 : memref<80xi32, #tpu.memory_space<vmem>>) semaphore(%arg23 : memref<!tpu.dma_semaphore, #tpu.memory_space<semaphore_mem>>)
      %dma_start3A_204 = arith.constant 0 : i32
      %dma_start3A_205 = arith.constant 0 : i32
      %dma_start3A_206 = tpu.memref_slice %arg3[%dma_start3A_204, %dma_start3A_205] : memref<10000x16xf32, #tpu.memory_space<hbm>> -> memref<10000x16xf32, #tpu.memory_space<hbm>>
      tpu.enqueue_indirect_dma source(%dma_start3A_206 : memref<10000x16xf32, #tpu.memory_space<hbm>>) target(%arg18 : memref<80x16xf32, #tpu.memory_space<vmem>>) offsets(%arg10 : memref<80xi32, #tpu.memory_space<vmem>>) semaphore(%arg23 : memref<!tpu.dma_semaphore, #tpu.memory_space<semaphore_mem>>)
    }
    %scan3A_20 = arith.constant 62 : i32
    %dma_wait3A = arith.constant 0 : i32
    %dma_wait3A_21 = arith.constant 0 : i32
    %dma_wait3A_22 = tpu.memref_slice %arg6[%dma_wait3A, %dma_wait3A_21] : memref<320000x128xf32, #tpu.memory_space<hbm>> -> memref<80x128xf32, #tpu.memory_space<hbm>>
    %dma_wait3A_23 = arith.constant 0 : i32
    %dma_wait3A_24 = arith.constant 0 : i32
    %dma_wait3A_25 = tpu.memref_slice %arg6[%dma_wait3A_23, %dma_wait3A_24] : memref<320000x128xf32, #tpu.memory_space<hbm>> -> memref<80x128xf32, #tpu.memory_space<hbm>>
    tpu.wait_dma2 semaphore(%arg26 : memref<!tpu.dma_semaphore, #tpu.memory_space<semaphore_mem>>) src(%arg15 : memref<80x128xf32, #tpu.memory_space<vmem>>) dst(%dma_wait3A_25 : memref<80x128xf32, #tpu.memory_space<hbm>>)
    %dma_wait3A_26 = arith.constant 0 : i32
    %dma_wait3A_27 = arith.constant 0 : i32
    %dma_wait3A_28 = tpu.memref_slice %arg7[%dma_wait3A_26, %dma_wait3A_27] : memref<320000x128xf32, #tpu.memory_space<hbm>> -> memref<80x128xf32, #tpu.memory_space<hbm>>
    %dma_wait3A_29 = arith.constant 0 : i32
    %dma_wait3A_30 = arith.constant 0 : i32
    %dma_wait3A_31 = tpu.memref_slice %arg7[%dma_wait3A_29, %dma_wait3A_30] : memref<320000x128xf32, #tpu.memory_space<hbm>> -> memref<80x128xf32, #tpu.memory_space<hbm>>
    tpu.wait_dma2 semaphore(%arg26 : memref<!tpu.dma_semaphore, #tpu.memory_space<semaphore_mem>>) src(%arg16 : memref<80x128xf32, #tpu.memory_space<vmem>>) dst(%dma_wait3A_31 : memref<80x128xf32, #tpu.memory_space<hbm>>)
    %dma_wait3A_32 = arith.constant 0 : i32
    %dma_wait3A_33 = tpu.memref_slice %arg8[%dma_wait3A_32] : memref<320000xf32, #tpu.memory_space<hbm>> -> memref<80xf32, #tpu.memory_space<hbm>>
    %dma_wait3A_34 = arith.constant 0 : i32
    %dma_wait3A_35 = tpu.memref_slice %arg8[%dma_wait3A_34] : memref<320000xf32, #tpu.memory_space<hbm>> -> memref<80xf32, #tpu.memory_space<hbm>>
    tpu.wait_dma2 semaphore(%arg26 : memref<!tpu.dma_semaphore, #tpu.memory_space<semaphore_mem>>) src(%arg22 : memref<80xf32, #tpu.memory_space<vmem>>) dst(%dma_wait3A_35 : memref<80xf32, #tpu.memory_space<hbm>>)
    %dma_wait3A_36 = arith.constant 0 : i32
    %dma_wait3A_37 = arith.constant 0 : i32
    %dma_wait3A_38 = tpu.memref_slice %arg2[%dma_wait3A_36, %dma_wait3A_37] : memref<10000x128xf32, #tpu.memory_space<hbm>> -> memref<10000x128xf32, #tpu.memory_space<hbm>>
    tpu.wait_indirect_dma semaphore(%arg23 : memref<!tpu.dma_semaphore, #tpu.memory_space<semaphore_mem>>) src(%dma_wait3A_38 : memref<10000x128xf32, #tpu.memory_space<hbm>>) dst(%arg13 : memref<80x128xf32, #tpu.memory_space<vmem>>)
    %dma_wait3A_39 = arith.constant 0 : i32
    %dma_wait3A_40 = arith.constant 0 : i32
    %dma_wait3A_41 = tpu.memref_slice %arg2[%dma_wait3A_39, %dma_wait3A_40] : memref<10000x128xf32, #tpu.memory_space<hbm>> -> memref<10000x128xf32, #tpu.memory_space<hbm>>
    tpu.wait_indirect_dma semaphore(%arg23 : memref<!tpu.dma_semaphore, #tpu.memory_space<semaphore_mem>>) src(%dma_wait3A_41 : memref<10000x128xf32, #tpu.memory_space<hbm>>) dst(%arg14 : memref<80x128xf32, #tpu.memory_space<vmem>>)
    %dma_wait3A_42 = arith.constant 0 : i32
    %dma_wait3A_43 = arith.constant 0 : i32
    %dma_wait3A_44 = tpu.memref_slice %arg3[%dma_wait3A_42, %dma_wait3A_43] : memref<10000x16xf32, #tpu.memory_space<hbm>> -> memref<10000x16xf32, #tpu.memory_space<hbm>>
    tpu.wait_indirect_dma semaphore(%arg23 : memref<!tpu.dma_semaphore, #tpu.memory_space<semaphore_mem>>) src(%dma_wait3A_44 : memref<10000x16xf32, #tpu.memory_space<hbm>>) dst(%arg17 : memref<80x16xf32, #tpu.memory_space<vmem>>)
    %dma_wait3A_45 = arith.constant 0 : i32
    %dma_wait3A_46 = arith.constant 0 : i32
    %dma_wait3A_47 = tpu.memref_slice %arg3[%dma_wait3A_45, %dma_wait3A_46] : memref<10000x16xf32, #tpu.memory_space<hbm>> -> memref<10000x16xf32, #tpu.memory_space<hbm>>
    tpu.wait_indirect_dma semaphore(%arg23 : memref<!tpu.dma_semaphore, #tpu.memory_space<semaphore_mem>>) src(%dma_wait3A_47 : memref<10000x16xf32, #tpu.memory_space<hbm>>) dst(%arg18 : memref<80x16xf32, #tpu.memory_space<vmem>>)
    %scan3A_48 = arith.constant 0 : i32
    %scan3A_49 = arith.constant 0 : i32
    %scan3A_50 = arith.constant 5 : i32
    %scan3A_51 = arith.addi %scan3A_49, %scan3A_50 : i32
    %scan3A_52 = arith.constant 1 : i32
    scf.for %scan3A_82 = %scan3A_49 to %scan3A_51 step %scan3A_52  : i32 {
      %broadcast_in_dim3A = arith.constant 0.000000e+00 : f32
      %broadcast_in_dim3A_83 = vector.broadcast %broadcast_in_dim3A : f32 to vector<16xf32>
      %scan3A_84 = arith.constant 0 : i32
      %scan3A_85 = arith.constant 16 : i32
      %scan3A_86 = arith.addi %scan3A_84, %scan3A_85 : i32
      %scan3A_87 = arith.constant 1 : i32
      %scan3A_88 = scf.for %scan3A_95 = %scan3A_84 to %scan3A_86 step %scan3A_87 iter_args(%scan3A_96 = %broadcast_in_dim3A_83) -> (vector<16xf32>)  : i32 {
        %mul3A_97 = arith.constant 16 : i32
        %mul3A_98 = arith.muli %scan3A_82, %mul3A_97 : i32
        %add3A_99 = arith.addi %mul3A_98, %scan3A_95 : i32
        %get3A = arith.index_cast %add3A_99 : i32 to index
        %get3A_100 = arith.constant 0 : index
        %get3A_101 = tpu.vector_load %arg17[%get3A, %get3A_100] {strides = array<i32>} : memref<80x16xf32, #tpu.memory_space<vmem>>, vector<1x16xf32>,
        %get3A_102 = vector.shape_cast %get3A_101 : vector<1x16xf32> to vector<16xf32>
        %get3A_103 = arith.index_cast %add3A_99 : i32 to index
        %get3A_104 = arith.constant 0 : index
        %get3A_105 = tpu.vector_load %arg18[%get3A_103, %get3A_104] {strides = array<i32>} : memref<80x16xf32, #tpu.memory_space<vmem>>, vector<1x16xf32>,
        %get3A_106 = vector.shape_cast %get3A_105 : vector<1x16xf32> to vector<16xf32>
        %sub3A = arith.subf %get3A_102, %get3A_106 : vector<16xf32>
        %mul3A_107 = arith.mulf %sub3A, %sub3A : vector<16xf32>
        %slice3A = vector.extract_strided_slice %mul3A_107 {offsets = [0], sizes = [1], strides = [1]} : vector<16xf32> to vector<1xf32>
        %squeeze3A = vector.extract %slice3A[0] : f32 from vector<1xf32>
        %slice3A_108 = vector.extract_strided_slice %mul3A_107 {offsets = [1], sizes = [1], strides = [1]} : vector<16xf32> to vector<1xf32>
        %squeeze3A_109 = vector.extract %slice3A_108[0] : f32 from vector<1xf32>
        %add3A_110 = arith.addf %squeeze3A, %squeeze3A_109 : f32
        %slice3A_111 = vector.extract_strided_slice %mul3A_107 {offsets = [2], sizes = [1], strides = [1]} : vector<16xf32> to vector<1xf32>
        %squeeze3A_112 = vector.extract %slice3A_111[0] : f32 from vector<1xf32>
        %add3A_113 = arith.addf %add3A_110, %squeeze3A_112 : f32
        %eq3A = vector.broadcast %scan3A_95 : i32 to vector<16xi32>
        %eq3A_114 = arith.cmpi eq, %iota3A, %eq3A : vector<16xi32>
        %broadcast_in_dim3A_115 = vector.broadcast %add3A_113 : f32 to vector<16xf32>
        %select_n3A = arith.select %eq3A_114, %broadcast_in_dim3A_115, %scan3A_96 : vector<16xi1>, vector<16xf32>
        scf.yield %select_n3A : vector<16xf32>
      }
      %scan3A_89 = arith.constant 16 : i32
      %mul3A_90 = arith.constant 16 : i32
      %mul3A_91 = arith.muli %scan3A_82, %mul3A_90 : i32
      %swap3A = arith.index_cast %mul3A_91 : i32 to index
      %swap3A_92 = tpu.vector_load %arg21[%swap3A] {strides = array<i32>} : memref<80xf32, #tpu.memory_space<vmem>>, vector<16xf32>,
      %swap3A_93 = vector.shape_cast %swap3A_92 : vector<16xf32> to vector<16xf32>
      %swap3A_94 = vector.shape_cast %scan3A_88 : vector<16xf32> to vector<16xf32>
      tpu.vector_store %arg21[%swap3A], %swap3A_94 {strides = array<i32>} : memref<80xf32, #tpu.memory_space<vmem>>, vector<16xf32>,
    }
    %scan3A_53 = arith.constant 5 : i32
    %add3A_54 = arith.constant 9920 : i32
    %add3A_55 = arith.addi %mul3A_2, %add3A_54 : i32
    %dma_start3A_56 = arith.constant 0 : i32
    %dma_start3A_57 = tpu.memref_slice %arg6[%add3A_55, %dma_start3A_56] : memref<320000x128xf32, #tpu.memory_space<hbm>> -> memref<80x128xf32, #tpu.memory_space<hbm>>
    %dma_start3A_58 = arith.constant 0 : i32
    %dma_start3A_59 = tpu.memref_slice %arg6[%add3A_55, %dma_start3A_58] : memref<320000x128xf32, #tpu.memory_space<hbm>> -> memref<80x128xf32, #tpu.memory_space<hbm>>
    tpu.enqueue_dma source(%arg13 : memref<80x128xf32, #tpu.memory_space<vmem>>) target(%dma_start3A_59 : memref<80x128xf32, #tpu.memory_space<hbm>>) target_semaphore(%arg25 : memref<!tpu.dma_semaphore, #tpu.memory_space<semaphore_mem>>)
    %dma_start3A_60 = arith.constant 0 : i32
    %dma_start3A_61 = tpu.memref_slice %arg7[%add3A_55, %dma_start3A_60] : memref<320000x128xf32, #tpu.memory_space<hbm>> -> memref<80x128xf32, #tpu.memory_space<hbm>>
    %dma_start3A_62 = arith.constant 0 : i32
    %dma_start3A_63 = tpu.memref_slice %arg7[%add3A_55, %dma_start3A_62] : memref<320000x128xf32, #tpu.memory_space<hbm>> -> memref<80x128xf32, #tpu.memory_space<hbm>>
    tpu.enqueue_dma source(%arg14 : memref<80x128xf32, #tpu.memory_space<vmem>>) target(%dma_start3A_63 : memref<80x128xf32, #tpu.memory_space<hbm>>) target_semaphore(%arg25 : memref<!tpu.dma_semaphore, #tpu.memory_space<semaphore_mem>>)
    %dma_start3A_64 = tpu.memref_slice %arg8[%add3A_55] : memref<320000xf32, #tpu.memory_space<hbm>> -> memref<80xf32, #tpu.memory_space<hbm>>
    %dma_start3A_65 = tpu.memref_slice %arg8[%add3A_55] : memref<320000xf32, #tpu.memory_space<hbm>> -> memref<80xf32, #tpu.memory_space<hbm>>
    tpu.enqueue_dma source(%arg21 : memref<80xf32, #tpu.memory_space<vmem>>) target(%dma_start3A_65 : memref<80xf32, #tpu.memory_space<hbm>>) target_semaphore(%arg25 : memref<!tpu.dma_semaphore, #tpu.memory_space<semaphore_mem>>)
    %dma_wait3A_66 = arith.constant 0 : i32
    %dma_wait3A_67 = arith.constant 0 : i32
    %dma_wait3A_68 = tpu.memref_slice %arg6[%dma_wait3A_66, %dma_wait3A_67] : memref<320000x128xf32, #tpu.memory_space<hbm>> -> memref<80x128xf32, #tpu.memory_space<hbm>>
    %dma_wait3A_69 = arith.constant 0 : i32
    %dma_wait3A_70 = arith.constant 0 : i32
    %dma_wait3A_71 = tpu.memref_slice %arg6[%dma_wait3A_69, %dma_wait3A_70] : memref<320000x128xf32, #tpu.memory_space<hbm>> -> memref<80x128xf32, #tpu.memory_space<hbm>>
    tpu.wait_dma2 semaphore(%arg25 : memref<!tpu.dma_semaphore, #tpu.memory_space<semaphore_mem>>) src(%arg13 : memref<80x128xf32, #tpu.memory_space<vmem>>) dst(%dma_wait3A_71 : memref<80x128xf32, #tpu.memory_space<hbm>>)
    %dma_wait3A_72 = arith.constant 0 : i32
    %dma_wait3A_73 = arith.constant 0 : i32
    %dma_wait3A_74 = tpu.memref_slice %arg7[%dma_wait3A_72, %dma_wait3A_73] : memref<320000x128xf32, #tpu.memory_space<hbm>> -> memref<80x128xf32, #tpu.memory_space<hbm>>
    %dma_wait3A_75 = arith.constant 0 : i32
    %dma_wait3A_76 = arith.constant 0 : i32
    %dma_wait3A_77 = tpu.memref_slice %arg7[%dma_wait3A_75, %dma_wait3A_76] : memref<320000x128xf32, #tpu.memory_space<hbm>> -> memref<80x128xf32, #tpu.memory_space<hbm>>
    tpu.wait_dma2 semaphore(%arg25 : memref<!tpu.dma_semaphore, #tpu.memory_space<semaphore_mem>>) src(%arg14 : memref<80x128xf32, #tpu.memory_space<vmem>>) dst(%dma_wait3A_77 : memref<80x128xf32, #tpu.memory_space<hbm>>)
    %dma_wait3A_78 = arith.constant 0 : i32
    %dma_wait3A_79 = tpu.memref_slice %arg8[%dma_wait3A_78] : memref<320000xf32, #tpu.memory_space<hbm>> -> memref<80xf32, #tpu.memory_space<hbm>>
    %dma_wait3A_80 = arith.constant 0 : i32
    %dma_wait3A_81 = tpu.memref_slice %arg8[%dma_wait3A_80] : memref<320000xf32, #tpu.memory_space<hbm>> -> memref<80xf32, #tpu.memory_space<hbm>>
    tpu.wait_dma2 semaphore(%arg25 : memref<!tpu.dma_semaphore, #tpu.memory_space<semaphore_mem>>) src(%arg21 : memref<80xf32, #tpu.memory_space<vmem>>) dst(%dma_wait3A_81 : memref<80xf32, #tpu.memory_space<hbm>>)
    return
  }
}

module attributes {stable_mosaic.version = 14 : i64} {
  func.func @_prep_body(%arg0: i32, %arg1: memref<512x128xf32, #tpu.memory_space<vmem>>, %arg2: memref<128x128xf32, #tpu.memory_space<vmem>>, %arg3: memref<512x128xf32, #tpu.memory_space<vmem>>) attributes {dimension_semantics = [#tpu.dimension_semantics<arbitrary>], iteration_bounds = array<i64: 20>, scalar_prefetch = 0 : i64, scratch_operands = 0 : i64, tpu.core_type = #tpu.core_type<tc>, window_params = [{transform_indices = @transform_0, window_bounds = array<i64: 512, 128>}, {pipeline_mode = #tpu.pipeline_mode<synchronous>, transform_indices = @transform_1, window_bounds = array<i64: 128, 128>}, {transform_indices = @transform_2, window_bounds = array<i64: 512, 128>}]} {
    %get3A = arith.constant 0 : index
    %get3A_0 = arith.constant 0 : index
    %get3A_1 = vector.load %arg1[%get3A, %get3A_0] : memref<512x128xf32, #tpu.memory_space<vmem>>, vector<512x128xf32>
    %get3A_2 = arith.constant 0 : index
    %get3A_3 = arith.constant 0 : index
    %get3A_4 = vector.load %arg2[%get3A_2, %get3A_3] : memref<128x128xf32, #tpu.memory_space<vmem>>, vector<128x128xf32>
    %dot_general3A = arith.constant dense<0.000000e+00> : vector<512x128xf32>
    %dot_general3A_5 = tpu.matmul %get3A_1, %get3A_4, %dot_general3A {dimension_numbers = #tpu.dot_dimension_numbers<[1], [0], [0], [1], [0, 0, 1, 1], [], []>, transpose_lhs_hint = false} : vector<512x128xf32>, vector<128x128xf32>, vector<512x128xf32> -> vector<512x128xf32>
    %swap3A = arith.constant 0 : index
    %swap3A_6 = arith.constant 0 : index
    %swap3A_7 = vector.load %arg3[%swap3A, %swap3A_6] : memref<512x128xf32, #tpu.memory_space<vmem>>, vector<512x128xf32>
    tpu.vector_store %arg3[%swap3A, %swap3A_6], %dot_general3A_5 {strides = array<i32>} : memref<512x128xf32, #tpu.memory_space<vmem>>, vector<512x128xf32>,
    return
  }
  func.func @transform_0(%arg0: i32) -> (i32, i32) {
    %c0_i32 = arith.constant 0 : i32
    %c0_i32_0 = arith.constant 0 : i32
    return %arg0, %c0_i32 : i32, i32
  }
  func.func @transform_1(%arg0: i32) -> (i32, i32) {
    %c0_i32 = arith.constant 0 : i32
    %c0_i32_0 = arith.constant 0 : i32
    %c0_i32_1 = arith.constant 0 : i32
    return %c0_i32, %c0_i32_0 : i32, i32
  }
  func.func @transform_2(%arg0: i32) -> (i32, i32) {
    %c0_i32 = arith.constant 0 : i32
    %c0_i32_0 = arith.constant 0 : i32
    return %arg0, %c0_i32 : i32, i32
  }
}

module attributes {stable_mosaic.version = 14 : i64} {
  func.func @_msg_body(%arg0: i32, %arg1: memref<1280x128xf32, #tpu.memory_space<vmem>>, %arg2: memref<1280x128xf32, #tpu.memory_space<vmem>>, %arg3: memref<1280x16xf32, #tpu.memory_space<vmem>>, %arg4: memref<1280x1xf32, #tpu.memory_space<vmem>>, %arg5: memref<16x128xf32, #tpu.memory_space<vmem>>, %arg6: memref<1x128xf32, #tpu.memory_space<vmem>>, %arg7: memref<1x128xf32, #tpu.memory_space<vmem>>, %arg8: memref<128x128xf32, #tpu.memory_space<vmem>>, %arg9: memref<1x128xf32, #tpu.memory_space<vmem>>, %arg10: memref<1280x128xf32, #tpu.memory_space<vmem>>, %arg11: memref<1280x128xf32, #tpu.memory_space<vmem>>) attributes {dimension_semantics = [#tpu.dimension_semantics<arbitrary>], iteration_bounds = array<i64: 250>, scalar_prefetch = 0 : i64, scratch_operands = 0 : i64, tpu.core_type = #tpu.core_type<tc>, window_params = [{transform_indices = @transform_0, window_bounds = array<i64: 1280, 128>}, {transform_indices = @transform_1, window_bounds = array<i64: 1280, 128>}, {transform_indices = @transform_2, window_bounds = array<i64: 1280, 16>}, {transform_indices = @transform_3, window_bounds = array<i64: 1280, 1>}, {pipeline_mode = #tpu.pipeline_mode<synchronous>, transform_indices = @transform_4, window_bounds = array<i64: 16, 128>}, {pipeline_mode = #tpu.pipeline_mode<synchronous>, transform_indices = @transform_5, window_bounds = array<i64: 1, 128>}, {pipeline_mode = #tpu.pipeline_mode<synchronous>, transform_indices = @transform_6, window_bounds = array<i64: 1, 128>}, {pipeline_mode = #tpu.pipeline_mode<synchronous>, transform_indices = @transform_7, window_bounds = array<i64: 128, 128>}, {pipeline_mode = #tpu.pipeline_mode<synchronous>, transform_indices = @transform_8, window_bounds = array<i64: 1, 128>}, {transform_indices = @transform_9, window_bounds = array<i64: 1280, 128>}, {transform_indices = @transform_10, window_bounds = array<i64: 1280, 128>}]} {
    %get3A = arith.constant 0 : index
    %get3A_0 = arith.constant 0 : index
    %get3A_1 = vector.load %arg4[%get3A, %get3A_0] : memref<1280x1xf32, #tpu.memory_space<vmem>>, vector<1280x1xf32>
    %get3A_2 = arith.constant 0 : index
    %get3A_3 = arith.constant 0 : index
    %get3A_4 = vector.load %arg3[%get3A_2, %get3A_3] : memref<1280x16xf32, #tpu.memory_space<vmem>>, vector<1280x16xf32>
    %get3A_5 = arith.constant 0 : index
    %get3A_6 = arith.constant 0 : index
    %get3A_7 = vector.load %arg5[%get3A_5, %get3A_6] : memref<16x128xf32, #tpu.memory_space<vmem>>, vector<16x128xf32>
    %dot_general3A = arith.constant dense<0.000000e+00> : vector<1280x128xf32>
    %dot_general3A_8 = tpu.matmul %get3A_4, %get3A_7, %dot_general3A {dimension_numbers = #tpu.dot_dimension_numbers<[1], [0], [0], [1], [0, 0, 1, 1], [], []>, transpose_lhs_hint = false} : vector<1280x16xf32>, vector<16x128xf32>, vector<1280x128xf32> -> vector<1280x128xf32>
    %get3A_9 = arith.constant 0 : index
    %get3A_10 = arith.constant 0 : index
    %get3A_11 = vector.load %arg6[%get3A_9, %get3A_10] : memref<1x128xf32, #tpu.memory_space<vmem>>, vector<1x128xf32>
    %mul3A = vector.broadcast %get3A_1 : vector<1280x1xf32> to vector<1280x128xf32>
    %mul3A_12 = vector.broadcast %get3A_11 : vector<1x128xf32> to vector<1280x128xf32>
    %mul3A_13 = arith.mulf %mul3A, %mul3A_12 : vector<1280x128xf32>
    %add3A = arith.addf %dot_general3A_8, %mul3A_13 : vector<1280x128xf32>
    %get3A_14 = arith.constant 0 : index
    %get3A_15 = arith.constant 0 : index
    %get3A_16 = vector.load %arg7[%get3A_14, %get3A_15] : memref<1x128xf32, #tpu.memory_space<vmem>>, vector<1x128xf32>
    %add3A_17 = vector.broadcast %get3A_16 : vector<1x128xf32> to vector<1280x128xf32>
    %add3A_18 = arith.addf %add3A, %add3A_17 : vector<1280x128xf32>
    %get3A_19 = arith.constant 0 : index
    %get3A_20 = arith.constant 0 : index
    %get3A_21 = vector.load %arg8[%get3A_19, %get3A_20] : memref<128x128xf32, #tpu.memory_space<vmem>>, vector<128x128xf32>
    %convert_element_type3A = arith.truncf %get3A_21 : vector<128x128xf32> to vector<128x128xbf16>
    %get3A_22 = arith.constant 0 : index
    %get3A_23 = arith.constant 0 : index
    %get3A_24 = vector.load %arg1[%get3A_22, %get3A_23] : memref<1280x128xf32, #tpu.memory_space<vmem>>, vector<1280x128xf32>
    %add3A_25 = arith.addf %get3A_24, %add3A_18 : vector<1280x128xf32>
    %logistic3A = arith.negf %add3A_25 : vector<1280x128xf32>
    %logistic3A_26 = math.exp %logistic3A : vector<1280x128xf32>
    %logistic3A_27 = arith.constant 1.000000e+00 : f32
    %logistic3A_28 = vector.broadcast %logistic3A_27 : f32 to vector<1280x128xf32>
    %logistic3A_29 = arith.addf %logistic3A_28, %logistic3A_26 : vector<1280x128xf32>
    %logistic3A_30 = arith.divf %logistic3A_28, %logistic3A_29 : vector<1280x128xf32>
    %mul3A_31 = arith.mulf %add3A_25, %logistic3A_30 : vector<1280x128xf32>
    %convert_element_type3A_32 = arith.truncf %mul3A_31 : vector<1280x128xf32> to vector<1280x128xbf16>
    %dot_general3A_33 = arith.constant dense<0.000000e+00> : vector<1280x128xf32>
    %dot_general3A_34 = tpu.matmul %convert_element_type3A_32, %convert_element_type3A, %dot_general3A_33 {dimension_numbers = #tpu.dot_dimension_numbers<[1], [0], [0], [1], [0, 0, 1, 1], [], []>, transpose_lhs_hint = false} : vector<1280x128xbf16>, vector<128x128xbf16>, vector<1280x128xf32> -> vector<1280x128xf32>
    %get3A_35 = arith.constant 0 : index
    %get3A_36 = arith.constant 0 : index
    %get3A_37 = vector.load %arg9[%get3A_35, %get3A_36] : memref<1x128xf32, #tpu.memory_space<vmem>>, vector<1x128xf32>
    %add3A_38 = vector.broadcast %get3A_37 : vector<1x128xf32> to vector<1280x128xf32>
    %add3A_39 = arith.addf %dot_general3A_34, %add3A_38 : vector<1280x128xf32>
    %logistic3A_40 = arith.negf %add3A_39 : vector<1280x128xf32>
    %logistic3A_41 = math.exp %logistic3A_40 : vector<1280x128xf32>
    %logistic3A_42 = arith.constant 1.000000e+00 : f32
    %logistic3A_43 = vector.broadcast %logistic3A_42 : f32 to vector<1280x128xf32>
    %logistic3A_44 = arith.addf %logistic3A_43, %logistic3A_41 : vector<1280x128xf32>
    %logistic3A_45 = arith.divf %logistic3A_43, %logistic3A_44 : vector<1280x128xf32>
    %mul3A_46 = arith.mulf %add3A_39, %logistic3A_45 : vector<1280x128xf32>
    %swap3A = arith.constant 0 : index
    %swap3A_47 = arith.constant 0 : index
    %swap3A_48 = vector.load %arg10[%swap3A, %swap3A_47] : memref<1280x128xf32, #tpu.memory_space<vmem>>, vector<1280x128xf32>
    tpu.vector_store %arg10[%swap3A, %swap3A_47], %mul3A_46 {strides = array<i32>} : memref<1280x128xf32, #tpu.memory_space<vmem>>, vector<1280x128xf32>,
    %get3A_49 = arith.constant 0 : index
    %get3A_50 = arith.constant 0 : index
    %get3A_51 = vector.load %arg2[%get3A_49, %get3A_50] : memref<1280x128xf32, #tpu.memory_space<vmem>>, vector<1280x128xf32>
    %add3A_52 = arith.addf %get3A_51, %add3A_18 : vector<1280x128xf32>
    %logistic3A_53 = arith.negf %add3A_52 : vector<1280x128xf32>
    %logistic3A_54 = math.exp %logistic3A_53 : vector<1280x128xf32>
    %logistic3A_55 = arith.constant 1.000000e+00 : f32
    %logistic3A_56 = vector.broadcast %logistic3A_55 : f32 to vector<1280x128xf32>
    %logistic3A_57 = arith.addf %logistic3A_56, %logistic3A_54 : vector<1280x128xf32>
    %logistic3A_58 = arith.divf %logistic3A_56, %logistic3A_57 : vector<1280x128xf32>
    %mul3A_59 = arith.mulf %add3A_52, %logistic3A_58 : vector<1280x128xf32>
    %convert_element_type3A_60 = arith.truncf %mul3A_59 : vector<1280x128xf32> to vector<1280x128xbf16>
    %dot_general3A_61 = arith.constant dense<0.000000e+00> : vector<1280x128xf32>
    %dot_general3A_62 = tpu.matmul %convert_element_type3A_60, %convert_element_type3A, %dot_general3A_61 {dimension_numbers = #tpu.dot_dimension_numbers<[1], [0], [0], [1], [0, 0, 1, 1], [], []>, transpose_lhs_hint = false} : vector<1280x128xbf16>, vector<128x128xbf16>, vector<1280x128xf32> -> vector<1280x128xf32>
    %get3A_63 = arith.constant 0 : index
    %get3A_64 = arith.constant 0 : index
    %get3A_65 = vector.load %arg9[%get3A_63, %get3A_64] : memref<1x128xf32, #tpu.memory_space<vmem>>, vector<1x128xf32>
    %add3A_66 = vector.broadcast %get3A_65 : vector<1x128xf32> to vector<1280x128xf32>
    %add3A_67 = arith.addf %dot_general3A_62, %add3A_66 : vector<1280x128xf32>
    %logistic3A_68 = arith.negf %add3A_67 : vector<1280x128xf32>
    %logistic3A_69 = math.exp %logistic3A_68 : vector<1280x128xf32>
    %logistic3A_70 = arith.constant 1.000000e+00 : f32
    %logistic3A_71 = vector.broadcast %logistic3A_70 : f32 to vector<1280x128xf32>
    %logistic3A_72 = arith.addf %logistic3A_71, %logistic3A_69 : vector<1280x128xf32>
    %logistic3A_73 = arith.divf %logistic3A_71, %logistic3A_72 : vector<1280x128xf32>
    %mul3A_74 = arith.mulf %add3A_67, %logistic3A_73 : vector<1280x128xf32>
    %swap3A_75 = arith.constant 0 : index
    %swap3A_76 = arith.constant 0 : index
    %swap3A_77 = vector.load %arg11[%swap3A_75, %swap3A_76] : memref<1280x128xf32, #tpu.memory_space<vmem>>, vector<1280x128xf32>
    tpu.vector_store %arg11[%swap3A_75, %swap3A_76], %mul3A_74 {strides = array<i32>} : memref<1280x128xf32, #tpu.memory_space<vmem>>, vector<1280x128xf32>,
    return
  }
  func.func @transform_0(%arg0: i32) -> (i32, i32) {
    %c0_i32 = arith.constant 0 : i32
    %c0_i32_0 = arith.constant 0 : i32
    return %arg0, %c0_i32 : i32, i32
  }
  func.func @transform_1(%arg0: i32) -> (i32, i32) {
    %c0_i32 = arith.constant 0 : i32
    %c0_i32_0 = arith.constant 0 : i32
    return %arg0, %c0_i32 : i32, i32
  }
  func.func @transform_2(%arg0: i32) -> (i32, i32) {
    %c0_i32 = arith.constant 0 : i32
    %c0_i32_0 = arith.constant 0 : i32
    return %arg0, %c0_i32 : i32, i32
  }
  func.func @transform_3(%arg0: i32) -> (i32, i32) {
    %c0_i32 = arith.constant 0 : i32
    %c0_i32_0 = arith.constant 0 : i32
    return %arg0, %c0_i32 : i32, i32
  }
  func.func @transform_4(%arg0: i32) -> (i32, i32) {
    %c0_i32 = arith.constant 0 : i32
    %c0_i32_0 = arith.constant 0 : i32
    %c0_i32_1 = arith.constant 0 : i32
    return %c0_i32, %c0_i32_0 : i32, i32
  }
  func.func @transform_5(%arg0: i32) -> (i32, i32) {
    %c0_i32 = arith.constant 0 : i32
    %c0_i32_0 = arith.constant 0 : i32
    %c0_i32_1 = arith.constant 0 : i32
    return %c0_i32, %c0_i32_0 : i32, i32
  }
  func.func @transform_6(%arg0: i32) -> (i32, i32) {
    %c0_i32 = arith.constant 0 : i32
    %c0_i32_0 = arith.constant 0 : i32
    %c0_i32_1 = arith.constant 0 : i32
    return %c0_i32, %c0_i32_0 : i32, i32
  }
  func.func @transform_7(%arg0: i32) -> (i32, i32) {
    %c0_i32 = arith.constant 0 : i32
    %c0_i32_0 = arith.constant 0 : i32
    %c0_i32_1 = arith.constant 0 : i32
    return %c0_i32, %c0_i32_0 : i32, i32
  }
  func.func @transform_8(%arg0: i32) -> (i32, i32) {
    %c0_i32 = arith.constant 0 : i32
    %c0_i32_0 = arith.constant 0 : i32
    %c0_i32_1 = arith.constant 0 : i32
    return %c0_i32, %c0_i32_0 : i32, i32
  }
  func.func @transform_9(%arg0: i32) -> (i32, i32) {
    %c0_i32 = arith.constant 0 : i32
    %c0_i32_0 = arith.constant 0 : i32
    return %arg0, %c0_i32 : i32, i32
  }
  func.func @transform_10(%arg0: i32) -> (i32, i32) {
    %c0_i32 = arith.constant 0 : i32
    %c0_i32_0 = arith.constant 0 : i32
    return %arg0, %c0_i32 : i32, i32
  }
}

module attributes {stable_mosaic.version = 14 : i64} {
  func.func @_upd_body(%arg0: i32, %arg1: memref<512x128xf32, #tpu.memory_space<vmem>>, %arg2: memref<512x128xf32, #tpu.memory_space<vmem>>, %arg3: memref<512x128xf32, #tpu.memory_space<vmem>>, %arg4: memref<128x128xf32, #tpu.memory_space<vmem>>, %arg5: memref<128x128xf32, #tpu.memory_space<vmem>>, %arg6: memref<1x128xf32, #tpu.memory_space<vmem>>, %arg7: memref<128x128xf32, #tpu.memory_space<vmem>>, %arg8: memref<1x128xf32, #tpu.memory_space<vmem>>, %arg9: memref<1x128xf32, #tpu.memory_space<vmem>>, %arg10: memref<1x128xf32, #tpu.memory_space<vmem>>, %arg11: memref<512x128xf32, #tpu.memory_space<vmem>>) attributes {dimension_semantics = [#tpu.dimension_semantics<arbitrary>], iteration_bounds = array<i64: 20>, scalar_prefetch = 0 : i64, scratch_operands = 0 : i64, tpu.core_type = #tpu.core_type<tc>, window_params = [{transform_indices = @transform_0, window_bounds = array<i64: 512, 128>}, {transform_indices = @transform_1, window_bounds = array<i64: 512, 128>}, {transform_indices = @transform_2, window_bounds = array<i64: 512, 128>}, {pipeline_mode = #tpu.pipeline_mode<synchronous>, transform_indices = @transform_3, window_bounds = array<i64: 128, 128>}, {pipeline_mode = #tpu.pipeline_mode<synchronous>, transform_indices = @transform_4, window_bounds = array<i64: 128, 128>}, {pipeline_mode = #tpu.pipeline_mode<synchronous>, transform_indices = @transform_5, window_bounds = array<i64: 1, 128>}, {pipeline_mode = #tpu.pipeline_mode<synchronous>, transform_indices = @transform_6, window_bounds = array<i64: 128, 128>}, {pipeline_mode = #tpu.pipeline_mode<synchronous>, transform_indices = @transform_7, window_bounds = array<i64: 1, 128>}, {pipeline_mode = #tpu.pipeline_mode<synchronous>, transform_indices = @transform_8, window_bounds = array<i64: 1, 128>}, {pipeline_mode = #tpu.pipeline_mode<synchronous>, transform_indices = @transform_9, window_bounds = array<i64: 1, 128>}, {transform_indices = @transform_10, window_bounds = array<i64: 512, 128>}]} {
    %get3A = arith.constant 0 : index
    %get3A_0 = arith.constant 0 : index
    %get3A_1 = vector.load %arg1[%get3A, %get3A_0] : memref<512x128xf32, #tpu.memory_space<vmem>>, vector<512x128xf32>
    %get3A_2 = arith.constant 0 : index
    %get3A_3 = arith.constant 0 : index
    %get3A_4 = vector.load %arg2[%get3A_2, %get3A_3] : memref<512x128xf32, #tpu.memory_space<vmem>>, vector<512x128xf32>
    %get3A_5 = arith.constant 0 : index
    %get3A_6 = arith.constant 0 : index
    %get3A_7 = vector.load %arg3[%get3A_5, %get3A_6] : memref<512x128xf32, #tpu.memory_space<vmem>>, vector<512x128xf32>
    %add3A = arith.addf %get3A_4, %get3A_7 : vector<512x128xf32>
    %get3A_8 = arith.constant 0 : index
    %get3A_9 = arith.constant 0 : index
    %get3A_10 = vector.load %arg4[%get3A_8, %get3A_9] : memref<128x128xf32, #tpu.memory_space<vmem>>, vector<128x128xf32>
    %dot_general3A = arith.constant dense<0.000000e+00> : vector<512x128xf32>
    %dot_general3A_11 = tpu.matmul %get3A_1, %get3A_10, %dot_general3A {dimension_numbers = #tpu.dot_dimension_numbers<[1], [0], [0], [1], [0, 0, 1, 1], [], []>, transpose_lhs_hint = false} : vector<512x128xf32>, vector<128x128xf32>, vector<512x128xf32> -> vector<512x128xf32>
    %get3A_12 = arith.constant 0 : index
    %get3A_13 = arith.constant 0 : index
    %get3A_14 = vector.load %arg5[%get3A_12, %get3A_13] : memref<128x128xf32, #tpu.memory_space<vmem>>, vector<128x128xf32>
    %dot_general3A_15 = arith.constant dense<0.000000e+00> : vector<512x128xf32>
    %dot_general3A_16 = tpu.matmul %add3A, %get3A_14, %dot_general3A_15 {dimension_numbers = #tpu.dot_dimension_numbers<[1], [0], [0], [1], [0, 0, 1, 1], [], []>, transpose_lhs_hint = false} : vector<512x128xf32>, vector<128x128xf32>, vector<512x128xf32> -> vector<512x128xf32>
    %add3A_17 = arith.addf %dot_general3A_11, %dot_general3A_16 : vector<512x128xf32>
    %get3A_18 = arith.constant 0 : index
    %get3A_19 = arith.constant 0 : index
    %get3A_20 = vector.load %arg6[%get3A_18, %get3A_19] : memref<1x128xf32, #tpu.memory_space<vmem>>, vector<1x128xf32>
    %add3A_21 = vector.broadcast %get3A_20 : vector<1x128xf32> to vector<512x128xf32>
    %add3A_22 = arith.addf %add3A_17, %add3A_21 : vector<512x128xf32>
    %logistic3A = arith.negf %add3A_22 : vector<512x128xf32>
    %logistic3A_23 = math.exp %logistic3A : vector<512x128xf32>
    %logistic3A_24 = arith.constant 1.000000e+00 : f32
    %logistic3A_25 = vector.broadcast %logistic3A_24 : f32 to vector<512x128xf32>
    %logistic3A_26 = arith.addf %logistic3A_25, %logistic3A_23 : vector<512x128xf32>
    %logistic3A_27 = arith.divf %logistic3A_25, %logistic3A_26 : vector<512x128xf32>
    %mul3A = arith.mulf %add3A_22, %logistic3A_27 : vector<512x128xf32>
    %get3A_28 = arith.constant 0 : index
    %get3A_29 = arith.constant 0 : index
    %get3A_30 = vector.load %arg7[%get3A_28, %get3A_29] : memref<128x128xf32, #tpu.memory_space<vmem>>, vector<128x128xf32>
    %dot_general3A_31 = arith.constant dense<0.000000e+00> : vector<512x128xf32>
    %dot_general3A_32 = tpu.matmul %mul3A, %get3A_30, %dot_general3A_31 {dimension_numbers = #tpu.dot_dimension_numbers<[1], [0], [0], [1], [0, 0, 1, 1], [], []>, transpose_lhs_hint = false} : vector<512x128xf32>, vector<128x128xf32>, vector<512x128xf32> -> vector<512x128xf32>
    %get3A_33 = arith.constant 0 : index
    %get3A_34 = arith.constant 0 : index
    %get3A_35 = vector.load %arg8[%get3A_33, %get3A_34] : memref<1x128xf32, #tpu.memory_space<vmem>>, vector<1x128xf32>
    %add3A_36 = vector.broadcast %get3A_35 : vector<1x128xf32> to vector<512x128xf32>
    %add3A_37 = arith.addf %dot_general3A_32, %add3A_36 : vector<512x128xf32>
    %add3A_38 = arith.addf %get3A_1, %add3A_37 : vector<512x128xf32>
    %reduce_sum3A = arith.constant dense<0.000000e+00> : vector<512xf32>
    %reduce_sum3A_39 = vector.multi_reduction <add>, %add3A_38, %reduce_sum3A [1] : vector<512x128xf32> to vector<512xf32>
    %broadcast_in_dim3A = vector.shape_cast %reduce_sum3A_39 : vector<512xf32> to vector<512x1xf32>
    %div3A = arith.constant 1.280000e+02 : f32
    %div3A_40 = vector.broadcast %div3A : f32 to vector<512x1xf32>
    %div3A_41 = arith.divf %broadcast_in_dim3A, %div3A_40 : vector<512x1xf32>
    %sub3A = vector.broadcast %div3A_41 : vector<512x1xf32> to vector<512x128xf32>
    %sub3A_42 = arith.subf %add3A_38, %sub3A : vector<512x128xf32>
    %integer_pow3A = arith.mulf %sub3A_42, %sub3A_42 : vector<512x128xf32>
    %reduce_sum3A_43 = arith.constant dense<0.000000e+00> : vector<512xf32>
    %reduce_sum3A_44 = vector.multi_reduction <add>, %integer_pow3A, %reduce_sum3A_43 [1] : vector<512x128xf32> to vector<512xf32>
    %broadcast_in_dim3A_45 = vector.shape_cast %reduce_sum3A_44 : vector<512xf32> to vector<512x1xf32>
    %div3A_46 = arith.constant 1.280000e+02 : f32
    %div3A_47 = vector.broadcast %div3A_46 : f32 to vector<512x1xf32>
    %div3A_48 = arith.divf %broadcast_in_dim3A_45, %div3A_47 : vector<512x1xf32>
    %sub3A_49 = vector.broadcast %div3A_41 : vector<512x1xf32> to vector<512x128xf32>
    %sub3A_50 = arith.subf %add3A_38, %sub3A_49 : vector<512x128xf32>
    %add3A_51 = arith.constant 9.99999974E-6 : f32
    %add3A_52 = vector.broadcast %add3A_51 : f32 to vector<512x1xf32>
    %add3A_53 = arith.addf %div3A_48, %add3A_52 : vector<512x1xf32>
    %rsqrt3A = math.rsqrt %add3A_53 : vector<512x1xf32>
    %mul3A_54 = vector.broadcast %rsqrt3A : vector<512x1xf32> to vector<512x128xf32>
    %mul3A_55 = arith.mulf %sub3A_50, %mul3A_54 : vector<512x128xf32>
    %get3A_56 = arith.constant 0 : index
    %get3A_57 = arith.constant 0 : index
    %get3A_58 = vector.load %arg9[%get3A_56, %get3A_57] : memref<1x128xf32, #tpu.memory_space<vmem>>, vector<1x128xf32>
    %mul3A_59 = vector.broadcast %get3A_58 : vector<1x128xf32> to vector<512x128xf32>
    %mul3A_60 = arith.mulf %mul3A_55, %mul3A_59 : vector<512x128xf32>
    %get3A_61 = arith.constant 0 : index
    %get3A_62 = arith.constant 0 : index
    %get3A_63 = vector.load %arg10[%get3A_61, %get3A_62] : memref<1x128xf32, #tpu.memory_space<vmem>>, vector<1x128xf32>
    %add3A_64 = vector.broadcast %get3A_63 : vector<1x128xf32> to vector<512x128xf32>
    %add3A_65 = arith.addf %mul3A_60, %add3A_64 : vector<512x128xf32>
    %swap3A = arith.constant 0 : index
    %swap3A_66 = arith.constant 0 : index
    %swap3A_67 = vector.load %arg11[%swap3A, %swap3A_66] : memref<512x128xf32, #tpu.memory_space<vmem>>, vector<512x128xf32>
    tpu.vector_store %arg11[%swap3A, %swap3A_66], %add3A_65 {strides = array<i32>} : memref<512x128xf32, #tpu.memory_space<vmem>>, vector<512x128xf32>,
    return
  }
  func.func @transform_0(%arg0: i32) -> (i32, i32) {
    %c0_i32 = arith.constant 0 : i32
    %c0_i32_0 = arith.constant 0 : i32
    return %arg0, %c0_i32 : i32, i32
  }
  func.func @transform_1(%arg0: i32) -> (i32, i32) {
    %c0_i32 = arith.constant 0 : i32
    %c0_i32_0 = arith.constant 0 : i32
    return %arg0, %c0_i32 : i32, i32
  }
  func.func @transform_2(%arg0: i32) -> (i32, i32) {
    %c0_i32 = arith.constant 0 : i32
    %c0_i32_0 = arith.constant 0 : i32
    return %arg0, %c0_i32 : i32, i32
  }
  func.func @transform_3(%arg0: i32) -> (i32, i32) {
    %c0_i32 = arith.constant 0 : i32
    %c0_i32_0 = arith.constant 0 : i32
    %c0_i32_1 = arith.constant 0 : i32
    return %c0_i32, %c0_i32_0 : i32, i32
  }
  func.func @transform_4(%arg0: i32) -> (i32, i32) {
    %c0_i32 = arith.constant 0 : i32
    %c0_i32_0 = arith.constant 0 : i32
    %c0_i32_1 = arith.constant 0 : i32
    return %c0_i32, %c0_i32_0 : i32, i32
  }
  func.func @transform_5(%arg0: i32) -> (i32, i32) {
    %c0_i32 = arith.constant 0 : i32
    %c0_i32_0 = arith.constant 0 : i32
    %c0_i32_1 = arith.constant 0 : i32
    return %c0_i32, %c0_i32_0 : i32, i32
  }
  func.func @transform_6(%arg0: i32) -> (i32, i32) {
    %c0_i32 = arith.constant 0 : i32
    %c0_i32_0 = arith.constant 0 : i32
    %c0_i32_1 = arith.constant 0 : i32
    return %c0_i32, %c0_i32_0 : i32, i32
  }
  func.func @transform_7(%arg0: i32) -> (i32, i32) {
    %c0_i32 = arith.constant 0 : i32
    %c0_i32_0 = arith.constant 0 : i32
    %c0_i32_1 = arith.constant 0 : i32
    return %c0_i32, %c0_i32_0 : i32, i32
  }
  func.func @transform_8(%arg0: i32) -> (i32, i32) {
    %c0_i32 = arith.constant 0 : i32
    %c0_i32_0 = arith.constant 0 : i32
    %c0_i32_1 = arith.constant 0 : i32
    return %c0_i32, %c0_i32_0 : i32, i32
  }
  func.func @transform_9(%arg0: i32) -> (i32, i32) {
    %c0_i32 = arith.constant 0 : i32
    %c0_i32_0 = arith.constant 0 : i32
    %c0_i32_1 = arith.constant 0 : i32
    return %c0_i32, %c0_i32_0 : i32, i32
  }
  func.func @transform_10(%arg0: i32) -> (i32, i32) {
    %c0_i32 = arith.constant 0 : i32
    %c0_i32_0 = arith.constant 0 : i32
    return %arg0, %c0_i32 : i32, i32
  }
}

</mosaic_0001>

<sc_bundles>
// kernel: kernel.10.cloned.1.call-start
scs
__scs_entry_jumppad:
0x0: {  	(pc) =	sbr.rel $0x88, $3  }
0x1: {  	(tag) =	ssettag $0x0;
	lr =	simm.s32 $0x1  }
0x2: {  	[smem:$0x3F93] =	sst lr;
	_ =	strace $0xD0000000  }
0x3: {  	_ = 	snop  }
0x4: {  	_ = 	snop  }
0x5: {  	_ = 	snop  }
0x6: {  	_ = 	snop  }
0x7: {  	_ = 	snop  }
__scs_overlays_trampoline_lowered:
0x8: {  	[smem:$0x3FA2] =	sst s0  }
0x9: {  	[smem:$0x3FA3] =	sst s1  }
0xa: {  	[smem:$0x3FA4] =	sst s2  }
0xb: {  	[smem:$0x3FA5] =	sst s3  }
0xc: {  	[smem:$0x3FA6] =	sst s4  }
0xd: {  	[smem:$0x3FA7] =	sst s5  }
0xe: {  	[smem:$0x3FA8] =	sst s6  }
0xf: {  	[smem:$0x3FA9] =	sst s7  }
0x10: {  	[smem:$0x3FAA] =	sst s8  }
0x11: {  	[smem:$0x3FAB] =	sst s9;
	s0 =	simm.s32 @!p0 $0x0  }
0x12: {  	s1 =	sld [smem:$0x3F91];
	s0 =	simm.s32 @p0 $0x1  }
0x13: {  	[smem:$0x3FAC] =	sst s0;
	s0 =	simm.s32 @!p1 $0x0  }
0x14: {  	s2 =	sld [smem:$0x3F90];
	s0 =	simm.s32 @p1 $0x1  }
0x15: {  	[smem:$0x3FAD] =	sst s0;
	s0 =	simm.s32 @!p2 $0x0  }
0x16: {  	s3 =	sld [smem:$0x3FDB];
	s0 =	simm.s32 @p2 $0x1  }
0x17: {  	s4 =	simm.s32 $0x1BF5;
	[smem:$0x3FAF] =	sst s0  }
0x18: {  	s0 =	sld [smem:$0x3F92];
	_ =	swait.ge [sflag:s4], $0x0  }
0x19: {  	s7 =	sld [smem:$0x3F93]  }
0x1a: {  	s8 =	sadd.s32 $0xFFFFE003, lr  }
0x1b: {  	s9 =	sadd.s32 $0xFFFFFEF7, lr;
	s5 =	simm.s32 $0xFFFFFFFF;
	p2 =	slt.u32 s8, $0xFFFFF086  }
0x1c: {  	p1 =	slt.u32 s9, $0xF7A;
	s5 =	simm.s32 @!p2 $0x0  }
0x1d: {  	s5 =	simm.s32 @p1 $0x1;
	p0 =	seq.s32 s7, s2  }
0x1e: {  	s7 =	smul.u32 @!p0 $0xF7A, s2;
	p2 =	seq.s32 @!p0 s5, $0x0  }
0x1f: {  	s9 =	smul.u32 $0xF7A, s1;
	s8 =	simm.s32 @!p0 $0x1BF5;
	p2 =	por !p2, p0  }
0x20: {  	[sflag:s8] =	ssyncset.s32 @!p0 $0xFFFFF086;
	s6 =	sadd.s32 @!p0 s3, s7;
	s7 =	simm.s32 @!p0 $0x108  }
0x21: {  	s3 =	sadd.s32 s3, s9;
	s6 =	sadd.s32 @!p0 $0x88, s6;
	s7 =	simm.s32 @p2 $0x1082  }
0x22: {  	[simem:s7], [sflag:s8] =	dma.local @!p0 [hbm:s6], $0xF7A  }
0x23: {  	s9 =	sor.u32 $0xD0000000, s2;
	s6 =	simm.s32 $0x108;
	_ =	swait.ge @!p0 [sflag:s8], $0x0  }
0x24: {  	s3 =	sadd.s32 $0x88, s3;
	s6 =	simm.s32 @!p1 $0x1082;
	[sflag:s4] =	ssyncset.s32 $0xFFFFF086  }
0x25: {  	[simem:s6], [sflag:s4] =	dma.local [hbm:s3], $0xF7A  }
0x26: {  	[smem:$0x3F93] =	sst s1;
	(tag) =	ssettag s2;
	_ =	strace s9  }
0x27: {  	s1 =	sld [smem:$0x3FA3]  }
0x28: {  	s2 =	sld [smem:$0x3FA4]  }
0x29: {  	s4 =	sld [smem:$0x3FA6]  }
0x2a: {  	p0 =	seq.s32 s5, $0x0;
	s5 =	sld [smem:$0x3FA7]  }
0x2b: {  	s6 =	sld [smem:$0x3FA8]  }
0x2c: {  	s7 =	sld [smem:$0x3FA9]  }
0x2d: {  	s3 =	simm.s32 $0x108;
	s8 =	sld [smem:$0x3FAA]  }
0x2e: {  	s3 =	simm.s32 @!p0 $0x1082;
	s9 =	sld [smem:$0x3FAB]  }
0x2f: {  	lr =	sadd.s32 s0, s3;
	s0 =	sld [smem:$0x3FA2]  }
0x30: {  	s3 =	sld [smem:$0x3FA5]  }
0x31: {  	[smem:$0x3FAE] =	sst s10  }
0x32: {  	s10 =	sld [smem:$0x3FAC];
	_ =	sdelay $0x3  }
0x33: {  	p0 =	seq.s32 s10, $0x1;
	s10 =	sld [smem:$0x3FAE];
	_ =	sdelay $0x3  }
0x34: {  	[smem:$0x3FAE] =	sst s10  }
0x35: {  	s10 =	sld [smem:$0x3FAD];
	_ =	sdelay $0x3  }
0x36: {  	p1 =	seq.s32 s10, $0x1;
	s10 =	sld [smem:$0x3FAE];
	_ =	sdelay $0x3  }
0x37: {  	[smem:$0x3FAE] =	sst s10  }
0x38: {  	s10 =	sld [smem:$0x3FAF]  }
0x39: {  	_ = 	snop;
	(pc) =	sbr.ind lr, $3  }
0x3a: {  	_ = 	snop  }
0x3b: {  	_ = 	snop  }
0x3c: {  	p2 =	seq.s32 s10, $0x1;
	s10 =	sld [smem:$0x3FAE]  }
0x3d: {  	_ =	shalt  }
0x3e: {  	_ =	shalt  }
0x3f: {  	_ =	shalt  }
0x40: {  	_ =	shalt  }
0x41: {  	_ =	shalt  }
0x42: {  	_ =	shalt  }
0x43: {  	_ =	shalt  }
0x44: {  	_ =	shalt  }
0x45: {  	_ =	shalt  }
0x46: {  	_ =	shalt  }
0x47: {  	_ =	shalt  }
0x48: {  	_ =	shalt  }
0x49: {  	_ =	shalt  }
0x4a: {  	_ =	shalt  }
0x4b: {  	_ =	shalt  }
0x4c: {  	_ =	shalt  }
0x4d: {  	_ =	shalt  }
0x4e: {  	_ =	shalt  }
0x4f: {  	_ =	shalt  }
0x50: {  	_ =	shalt  }
0x51: {  	_ =	shalt  }
0x52: {  	_ =	shalt  }
0x53: {  	_ =	shalt  }
0x54: {  	_ =	shalt  }
0x55: {  	_ =	shalt  }
0x56: {  	_ =	shalt  }
0x57: {  	_ =	shalt  }
0x58: {  	_ =	shalt  }
0x59: {  	_ =	shalt  }
0x5a: {  	_ =	shalt  }
0x5b: {  	_ =	shalt  }
0x5c: {  	_ =	shalt  }
0x5d: {  	_ =	shalt  }
0x5e: {  	_ =	shalt  }
0x5f: {  	_ =	shalt  }
0x60: {  	_ =	shalt  }
0x61: {  	_ =	shalt  }
0x62: {  	_ =	shalt  }
0x63: {  	_ =	shalt  }
0x64: {  	_ =	shalt  }
0x65: {  	_ =	shalt  }
0x66: {  	_ =	shalt  }
0x67: {  	_ =	shalt  }
0x68: {  	_ =	shalt  }
0x69: {  	_ =	shalt  }
0x6a: {  	_ =	shalt  }
0x6b: {  	_ =	shalt  }
0x6c: {  	_ =	shalt  }
0x6d: {  	_ =	shalt  }
0x6e: {  	_ =	shalt  }
0x6f: {  	_ =	shalt  }
0x70: {  	_ =	shalt  }
0x71: {  	_ =	shalt  }
0x72: {  	_ =	shalt  }
0x73: {  	_ =	shalt  }
0x74: {  	_ =	shalt  }
0x75: {  	_ =	shalt  }
0x76: {  	_ =	shalt  }
0x77: {  	_ =	shalt  }
0x78: {  	_ =	shalt  }
0x79: {  	_ =	shalt  }
0x7a: {  	_ =	shalt  }
0x7b: {  	_ =	shalt  }
0x7c: {  	_ =	shalt  }
0x7d: {  	_ =	shalt  }
0x7e: {  	_ =	shalt  }
0x7f: {  	_ =	shalt  }
0x80: {  	_ =	shalt  }
0x81: {  	_ =	shalt  }
0x82: {  	_ =	shalt  }
0x83: {  	_ =	shalt  }
0x84: {  	_ =	shalt  }
0x85: {  	_ =	shalt  }
0x86: {  	_ =	shalt  }
0x87: {  	_ =	shalt  }
.Lfunc_end0:
.L_simem_size_0:
called_computation.1_lowered:
.L_overlay_start_0:
0x88: {  	s2 =	sld [smem:$0x3FD9]  }
0x89: {  	s3 =	sld [smem:$0x3FFE];
	_ =	sdelay $0x1  }
0x8a: {  	s1 =	srdreg.scid  }
0x8b: {  	s0 =	sand.u32 $0x1, s1  }
0x8c: {  	s16 =	sshll.u32 s0, $0xA;
	s2 =	sadd.s32 s3, s2  }
0x8d: {  	s2 =	sadd.s32 s2, s16  }
0x8e: {  	[smem:$0x3FBA] =	sst s2  }
0x8f: {  	_ = 	snop  }
0x90: {  	(tm) =	ssettm $0x1  }
0x91: {  	s17 =	sld [smem:$0x3FFB];
	_ =	sdelay $0x3  }
0x92: {  	_ =	strace s17  }
0x93: {  	s2 =	sld [smem:$0x3FFC];
	_ =	sdelay $0x3  }
0x94: {  	_ =	strace s2  }
0x95: {  	s2 =	sld [smem:$0x3FFD];
	_ =	sdelay $0x3  }
0x96: {  	_ =	strace s2  }
0x97: {  	_ =	strace $0x8FFFFFFF  }
0x98: {  	s18 =	sld [smem:$0x3FDB];
	_ =	sdelay $0x1  }
0x99: {  	s19 =	simm.s32 $_scs_section_size  }
0x9a: {  	s4 =	simm.s32 $_size__tile_overlayer_lowered;
	s5 =	simm.s32 $_tile_overlayer_lowered  }
0x9b: {  	s22 =	simm.s32 $0x1BFF;
	s21 =	sshll.u32 s5, $0x1;
	s2 =	sadd.s32 s19, s18  }
0x9c: {  	s6 =	simm.s32 $0x0;
	s20 =	sshll.u32 s4, $0x1;
	s4 =	sadd.s32 s21, s2  }
0x9d: {  	[timem:s6], [sflag:s22] =	dma.local [hbm:s4], s20  }
0x9e: {  	_ =	swait.ge [sflag:s22], s20  }
0x9f: {  	s3 =	ssub.s32 $0x0, s20;
	[sflag:s22] =	ssyncset.done $0x0  }
0xa0: {  	[sflag:s22] =	ssyncadd.s32 s3;
	_ =	sdelay $0x1  }
0xa1: {  	s23 =	simm.s32 $0x1B8B  }
0xa2: {  	_ =	swait.ge [sflag:s23], $0x1  }
0xa3: {  	[sflag:s23] =	ssyncset.done $0x0  }
0xa4: {  	s25 =	simm.s32 $0x1B8E;
	s24 =	sld [smem:$0x3FFE];
	[sflag:s23] =	ssyncadd.s32 $0xFFFFFFFF  }
0xa5: {  	s26 =	simm.s32 $execute0_lowered;
	[smem:$0x3FD2] =	sst s25  }
0xa6: {  	s4 =	sshll.u32 s26, $0x1;
	_ =	strace $0x80000049;
	[dreg:$0x1] =	wrdreg $0xFFFFFFFF  }
0xa7: {  	s28 =	simm.s32 $_size_execute0_lowered;
	s2 =	sadd.s32 s2, s4;
	[dreg:$0x0] =	wrdreg $0x0  }
0xa8: {  	s4 =	sshll.u32 s28, $0x1;
	[dreg:$0x2] =	wrdreg s2  }
0xa9: {  	[dreg:$0x3] =	wrdreg s4  }
0xaa: {  	[dreg:$0x4] =	wrdreg $0xC0  }
0xab: {  	_ =	task [dreg:s6], $0x5FFFF  }
0xac: {  	[dreg:$0x1] =	wrdreg $0xFFFFFFFF  }
0xad: {  	[dreg:$0x0] =	wrdreg $0x60  }
0xae: {  	[dreg:$0x2] =	wrdreg s24  }
0xaf: {  	[dreg:$0x3] =	wrdreg $0x0  }
0xb0: {  	[dreg:$0x4] =	wrdreg $0x9  }
0xb1: {  	_ =	task.clear_ibuf [dreg:s6], $0x5FFFF;
	_ =	strace $0x90000049  }
0xb2: {  	s29 =	simm.s32 $0x9;
	_ =	strace $0x8000004B  }
0xb3: {  	_ =	swait.ge [sflag:s29], $0x1  }
0xb4: {  	[sflag:s29] =	ssyncadd.s32 $0xFFFFFFFF  }
0xb5: {  	_ =	strace $0x9000004B  }
0xb6: {  	_ =	sfence  }
0xb7: {  	s30 =	sld [smem:$0x0];
	_ =	sdelay $0x2  }
0xb8: {  	s31 =	sshll.u32 s1, $0xD;
	s1 =	sshrl.u32 s1, $0x2  }
0xb9: {  	s3 =	sand.u32 $0x4000, s31;
	s1 =	sadd.s32 s1, s30  }
0xba: {  	s0 =	sor.u32 s3, s0;
	s1 =	sshll.u32 s1, $0x11  }
0xbb: {  	s0 =	sor.u32 s1, s0  }
0xbc: {  	s0 =	sadd.s32 $0x8F2B, s0  }
0xbd: {  	[sflag:s0] =	ssyncadd.remote.s32 $0x1  }
0xbe: {  	_ =	sfence.sel $0xFFFF  }
0xbf: {  	[dreg:$0x0] =	wrdreg $0xFFFFFFFF;
	(pc) =	sbr.abs _section_cstart, $3  }
0xc0: {  	[dreg:$0x1] =	wrdreg $0xFFFFFFFF  }
0xc1: {  	_ =	task.clear_ibuf [dreg:s6], $0x2FFFF;
	_ =	strace $0x9FFFFFFF  }
0xc2: {  	(tm) =	ssettm $0x7FFFFFFF  }
0xc3: {  	_ =	shalt  }
tec
execute0_lowered:
.L_overlay_start_1:
0x0: {  	(tag) =	ssettag $0x1  }
0x1: {  	s0 =	rddreg [dreg:$0x0]  }
0x2: {  	s1 =	rddreg [dreg:$0x1]  }
0x3: {  	s2 =	srdreg.scid;
	s3 =	simm.s32 $0x0;
	s18 =	stileid.u32  }
0x4: {  	s28 =	simm.s32 $0x3;
	s29 =	simm.s32 $0x14500;
	s30 =	simm.s32 $0x14550  }
0x5: {  	s31 =	simm.s32 $0x14640;
	s2 =	sand.u32 $0x1, s2;
	s7 =	sadd.s32 $0x13AF400, s0  }
0x6: {  	[smem:$0x7FF] =	sst s3;
	s9 =	sadd.s32 $0x1891400, s0;
	s10 =	smul.u32 $0x271, s18  }
0x7: {  	s5 =	sadd.s32 $0x4A00, s0;
	s17 =	smul.u32 $0x2710, s18;
	s4 =	sshll.u32 s2, $0x4  }
0x8: {  	_ =	strace $0x8000004A;
	s11 =	ssub.s32 $0x2, s2;
	s12 =	smul.u32 $0x2710, s2  }
0x9: {  	s2 =	smul.u32 $0x27100, s2;
	s6 =	sor.u32 s18, s4;
	s4 =	sadd.s32 $0xE800, s0  }
0xa: {  	s0 =	sadd.s32 $0x18600, s0;
	s13 =	sshrl.u32 s11, $0x1;
	s21 =	sadd.s32 $0x7D, s10  }
0xb: {  	s22 =	sadd.s32 $0xFA, s10;
	s18 =	smul.u32 $0x4E200, s18;
	s24 =	sadd.s32 $0x177, s10  }
0xc: {  	s8 =	smul.u32 $0x2710, s6;
	s11 =	ssub.s32 s11, s13;
	s20 =	sadd.s32 s10, s12  }
0xd: {  	s6 =	smul.u32 $0x27100, s6;
	s15 =	sadd.s32 s12, s21;
	s16 =	sadd.s32 s12, s22  }
0xe: {  	s10 =	sadd.s32 $0x1F4, s10;
	s2 =	sadd.s32 s17, s2;
	s25 =	sadd.s32 s12, s24  }
0xf: {  	s13 =	sshll.u32 s20, $0x4;
	s15 =	sshll.u32 s15, $0x4;
	s16 =	sshll.u32 s16, $0x4  }
0x10: {  	s12 =	sadd.s32 s12, s10;
	s17 =	sadd.s32 $0xA0, s2;
	s20 =	sshll.u32 s22, $0x7  }
0x11: {  	s10 =	sshll.u32 s10, $0x7;
	s2 =	sadd.s32 $0x50, s2;
	s11 =	smax.u32 s11, $0x1  }
0x12: {  	s8 =	sshrl.u32 s8, $0x3;
	s13 =	sadd.s32 s0, s13;
	[dreg:$0x9] =	wrdreg s17  }
0x13: {  	s15 =	sadd.s32 s0, s15;
	s23 =	sadd.s32 s0, s16;
	[dreg:$0xf] =	wrdreg s11  }
0x14: {  	s16 =	sshll.u32 s25, $0x4;
	s12 =	sshll.u32 s12, $0x4;
	[dreg:$0x6] =	wrdreg s13  }
0x15: {  	s19 =	sshll.u32 s17, $0x4;
	s17 =	sadd.s32 s9, s6;
	[dreg:$0x7] =	wrdreg s15  }
0x16: {  	s10 =	sadd.s32 s10, s1;
	s11 =	simm.s32 $0x50;
	[dreg:$0x8] =	wrdreg s23  }
0x17: {  	s14 =	sadd.s32 s4, s8;
	s16 =	sadd.s32 s0, s16;
	[dreg:$0xe] =	wrdreg s17  }
0x18: {  	s0 =	sadd.s32 s0, s12;
	s26 =	sadd.s32 s19, s7;
	[dreg:$0x5] =	wrdreg s14  }
0x19: {  	s8 =	sadd.s32 s5, s8;
	s12 =	sshrl.u32 s18, $0x2;
	[dreg:$0xa] =	wrdreg s16  }
0x1a: {  	s18 =	sshll.u32 s21, $0x7;
	s21 =	sshll.u32 s24, $0x7;
	[dreg:$0xb] =	wrdreg s0  }
0x1b: {  	s22 =	sadd.s32 s19, s9;
	s23 =	sshll.u32 s2, $0x4;
	[dreg:$0xc] =	wrdreg s8  }
0x1c: {  	s2 =	sshrl.u32 s2, $0x3;
	s13 =	simm.s32 $0x0;
	[dreg:$0x3] =	wrdreg s26  }
0x1d: {  	s16 =	sadd.s32 s7, s6;
	s0 =	sadd.s32 s18, s1;
	s6 =	sadd.s32 s20, s1  }
0x1e: {  	s8 =	sadd.s32 s21, s1;
	[dreg:$0x4] =	wrdreg s22;
	s18 =	sadd.s32 s23, s7  }
0x1f: {  	s19 =	sadd.s32 s23, s9;
	s22 =	sadd.s32 s2, s5;
	s21 =	sadd.s32 s2, s4  }
0x20: {  	s26 =	sshrl.u32 s10, $0x3;
	s2 =	simm.s32 $0x145A0;
	s7 =	simm.s32 $0x19640  }
0x21: {  	s9 =	simm.s32 $0x1;
	[dreg:$0xd] =	wrdreg s16;
	s16 =	sadd.s32 s12, s1  }
0x22: {  	s0 =	sshrl.u32 s0, $0x3;
	s24 =	sshrl.u32 s6, $0x3;
	[dreg:$0x13] =	wrdreg s26  }
0x23: {  	s25 =	sshrl.u32 s8, $0x3;
	s26 =	simm.s32 $0x13880;
	[dreg:$0x10] =	wrdreg s0  }
0x24: {  	s6 =	simm.s32 $0x145F0;
	s8 =	simm.s32 $0x1BE40;
	[dreg:$0x11] =	wrdreg s24  }
0x25: {  	v0 =	vimm.f32 $0.0e+00;
	s12 =	simm.s32 $0x2;
	[dreg:$0x12] =	wrdreg s25;
	s0 =	simm.s32 $0x16E40  }
.LBB2_1:
0x26: {  	s10 =	simm.s32 $0x0;
	s14 =	simm.s32 $0x200  }
.LBB2_2:
0x27: {  	p0 =	sne.s32 s14, $0x3000;
	[tilespmem:s10+$0x138F0] =	vst v0  }
0x28: {  	[tilespmem:s10+$0x13880] =	vst v0  }
0x29: {  	[tilespmem:s10+$0x13890] =	vst v0  }
.Ltmp0:
0x2a: {  	[tilespmem:s10+$0x138A0] =	vst v0;
	(pc) =	sbr.rel @p0 .LBB2_2-.Ltmp0, $4  }
0x2b: {  	[tilespmem:s10+$0x138B0] =	vst v0  }
0x2c: {  	[tilespmem:s10+$0x138C0] =	vst v0  }
0x2d: {  	[tilespmem:s10+$0x138D0] =	vst v0  }
0x2e: {  	[tilespmem:s10+$0x138E0] =	vst v0;
	s10 =	sshra.s32 s14, $0x2;
	s14 =	sadd.s32 $0x200, s14  }
0x2f: {  	[tilespmem:s10+$0x138F0] =	vst v0  }
0x30: {  	[tilespmem:s10+$0x13880] =	vst v0  }
0x31: {  	[tilespmem:s10+$0x13890] =	vst v0  }
0x32: {  	[tilespmem:s10+$0x138A0] =	vst v0  }
0x33: {  	[tilespmem:s10+$0x138B0] =	vst v0  }
0x34: {  	[tilespmem:s10+$0x138C0] =	vst v0  }
0x35: {  	[tilespmem:s10+$0x138D0] =	vst v0  }
0x36: {  	[tilespmem:s10+$0x138E0] =	vst v0;
	s25 =	sadd.s32 $0x0, s16  }
0x37: {  	[spmem:s25] =	stream.linear.scatter [tilespmem:s26], [sflag:$0x3], $0xC80, $0x38;
	[tilespmem:$0x1E640] =	vst v63  }
0x38: {  	s10 =	simm.s32 $0x3200;
	_ =	swait.ge [sflag:s28], $0xC80  }
.LBB2_4:
0x39: {  	s14 =	sshra.s32 s10, $0x2;
	[sflag:s28] =	ssyncset.done $0x0;
	p0 =	sne.s32 s10, $0x4B000  }
.Ltmp1:
0x3a: {  	s14 =	sadd.s32 s14, s16;
	[sflag:s28] =	ssyncadd.s32 $0xFFFFF380;
	(pc) =	sbr.rel @p0 .LBB2_4-.Ltmp1, $3  }
0x3b: {  	[spmem:s14] =	stream.linear.scatter [tilespmem:s26], [sflag:$0x3], $0xC80, $0x38;
	[tilespmem:$0x1E640] =	vst v63  }
0x3c: {  	s10 =	sadd.s32 $0x3200, s10;
	_ =	sdelay $0x1  }
0x3d: {  	_ =	swait.ge [sflag:s28], $0xC80  }
0x3e: {  	[sflag:s28] =	ssyncset.done $0x0  }
0x3f: {  	[sflag:s28] =	ssyncadd.s32 $0xFFFFF380  }
0x40: {  	[bflag:$0x0] =	sbarrier.arrive $0xFFFF  }
0x41: {  	s10 =	simm.s32 $0x0;
	s14 =	rddreg [dreg:$0x5]  }
0x42: {  	[tilespmem:s29], [sflag:$0x1] =	stream.linear.gather [hbm4b:s14+s10], $0x50, $0x38;
	[tilespmem:$0x1E640] =	vst v63  }
0x43: {  	s15 =	rddreg [dreg:$0xc]  }
0x44: {  	[tilespmem:s30], [sflag:$0x1] =	stream.linear.gather [hbm4b:s15+s10], $0x50, $0x38;
	[tilespmem:$0x1E640] =	vst v63  }
0x45: {  	s17 =	rddreg [dreg:$0xd]  }
0x46: {  	[tilespmem:s31], [sflag:$0x1] =	stream.linear.gather [hbm4b:s17+s10], $0x2800, $0x38;
	[tilespmem:$0x1E640] =	vst v63  }
0x47: {  	s20 =	rddreg [dreg:$0xe]  }
0x48: {  	[tilespmem:s0], [sflag:$0x1] =	stream.linear.gather [hbm4b:s20+s10], $0x2800, $0x38;
	[tilespmem:$0x1E640] =	vst v63  }
0x49: {  	_ = 	snop  }
0x4a: {  	[tilespmem:s2], [sflag:$0x2] =	stream.linear.gather [hbm4b:s21+s3], $0x50, $0x38;
	[tilespmem:$0x1E640] =	vst v63  }
0x4b: {  	_ = 	snop  }
0x4c: {  	[tilespmem:s6], [sflag:$0x2] =	stream.linear.gather [hbm4b:s22+s3], $0x50, $0x38;
	[tilespmem:$0x1E640] =	vst v63  }
0x4d: {  	s23 =	sadd.s32 $0x0, s18  }
0x4e: {  	[tilespmem:s7], [sflag:$0x2] =	stream.linear.gather [hbm4b:s23+s3], $0x2800, $0x38;
	[tilespmem:$0x1E640] =	vst v63  }
0x4f: {  	s24 =	sadd.s32 $0x0, s19  }
0x50: {  	[tilespmem:s8], [sflag:$0x2] =	stream.linear.gather [hbm4b:s24+s3], $0x2800, $0x38;
	[tilespmem:$0x1E640] =	vst v63  }
0x51: {  	_ =	swait.ge [sflag:s9], $0x50  }
0x52: {  	[sflag:s9] =	ssyncset.done $0x0  }
0x53: {  	[sflag:s9] =	ssyncadd.s32 $0xFFFFFFB0  }
0x54: {  	_ =	swait.ge [sflag:s9], $0x50  }
0x55: {  	[sflag:s9] =	ssyncset.done $0x0  }
0x56: {  	[sflag:s9] =	ssyncadd.s32 $0xFFFFFFB0  }
0x57: {  	_ =	swait.ge [sflag:s9], $0x2800  }
0x58: {  	[sflag:s9] =	ssyncset.done $0x0  }
0x59: {  	[sflag:s9] =	ssyncadd.s32 $0xFFFFD800  }
0x5a: {  	_ =	swait.ge [sflag:s9], $0x2800  }
0x5b: {  	[sflag:s9] =	ssyncset.done $0x0  }
0x5c: {  	[sflag:s9] =	ssyncadd.s32 $0xFFFFD800  }
0x5d: {  	[spmem:s1] =	stream.indirect.scatter.add.f32 [tilespmem:s31], [sflag:$0x3], $0x80, s29, s11, $0xb8;
	[tilespmem:$0x1E640] =	vst v63  }
0x5e: {  	_ =	swait.ge [sflag:s28], $0x2800  }
0x5f: {  	[sflag:s28] =	ssyncset.done $0x0  }
0x60: {  	[sflag:s28] =	ssyncadd.s32 $0xFFFFD800  }
0x61: {  	[spmem:s1] =	stream.indirect.scatter.add.f32 [tilespmem:s0], [sflag:$0x3], $0x80, s30, s11, $0xb8;
	[tilespmem:$0x1E640] =	vst v63  }
0x62: {  	_ =	swait.ge [sflag:s28], $0x2800  }
0x63: {  	s17 =	rddreg [dreg:$0x9]  }
0x64: {  	[sflag:s28] =	ssyncset.done $0x0;
	s25 =	sshrl.u32 s17, $0x3  }
0x65: {  	[sflag:s28] =	ssyncadd.s32 $0xFFFFD800;
	s20 =	sadd.s32 s4, s25  }
0x66: {  	[tilespmem:s29], [sflag:$0x1] =	stream.linear.gather [hbm4b:s20+s3], $0x50, $0x38;
	[tilespmem:$0x1E640] =	vst v63  }
0x67: {  	s15 =	rddreg [dreg:$0x3];
	s10 =	sadd.s32 s5, s25  }
0x68: {  	[tilespmem:s30], [sflag:$0x1] =	stream.linear.gather [hbm4b:s10+s3], $0x50, $0x38;
	[tilespmem:$0x1E640] =	vst v63  }
0x69: {  	s23 =	rddreg [dreg:$0x4];
	s24 =	sadd.s32 $0x0, s15  }
0x6a: {  	[tilespmem:s31], [sflag:$0x1] =	stream.linear.gather [hbm4b:s24+s3], $0x2800, $0x38;
	[tilespmem:$0x1E640] =	vst v63  }
0x6b: {  	s25 =	sadd.s32 $0x0, s23  }
0x6c: {  	[tilespmem:s0], [sflag:$0x1] =	stream.linear.gather [hbm4b:s25+s3], $0x2800, $0x38;
	[tilespmem:$0x1E640] =	vst v63  }
0x6d: {  	_ =	swait.ge [sflag:s12], $0x50  }
0x6e: {  	[sflag:s12] =	ssyncset.done $0x0  }
0x6f: {  	[sflag:s12] =	ssyncadd.s32 $0xFFFFFFB0  }
0x70: {  	_ =	swait.ge [sflag:s12], $0x50  }
0x71: {  	[sflag:s12] =	ssyncset.done $0x0  }
0x72: {  	[sflag:s12] =	ssyncadd.s32 $0xFFFFFFB0  }
0x73: {  	_ =	swait.ge [sflag:s12], $0x2800  }
0x74: {  	[sflag:s12] =	ssyncset.done $0x0  }
0x75: {  	[sflag:s12] =	ssyncadd.s32 $0xFFFFD800  }
0x76: {  	_ =	swait.ge [sflag:s12], $0x2800  }
0x77: {  	[sflag:s12] =	ssyncset.done $0x0  }
0x78: {  	[sflag:s12] =	ssyncadd.s32 $0xFFFFD800  }
0x79: {  	[spmem:s1] =	stream.indirect.scatter.add.f32 [tilespmem:s7], [sflag:$0x3], $0x80, s2, s11, $0xb8;
	[tilespmem:$0x1E640] =	vst v63  }
0x7a: {  	_ =	swait.ge [sflag:s28], $0x2800  }
0x7b: {  	[sflag:s28] =	ssyncset.done $0x0  }
0x7c: {  	[sflag:s28] =	ssyncadd.s32 $0xFFFFD800  }
0x7d: {  	[spmem:s1] =	stream.indirect.scatter.add.f32 [tilespmem:s8], [sflag:$0x3], $0x80, s6, s11, $0xb8;
	[tilespmem:$0x1E640] =	vst v63  }
0x7e: {  	s14 =	simm.s32 $0xA00;
	s15 =	sadd.s32 $0x14, s21;
	_ =	swait.ge [sflag:s28], $0x2800  }
0x7f: {  	s20 =	smov.u32 s22;
	s10 =	smov.u32 s17;
	[sflag:s28] =	ssyncset.done $0x0  }
.LBB2_6:
0x80: {  	[sflag:s28] =	ssyncadd.s32 $0xFFFFD800  }
0x81: {  	[tilespmem:s2], [sflag:$0x2] =	stream.linear.gather [hbm4b:s15+s3], $0x50, $0x38;
	[tilespmem:$0x1E640] =	vst v63  }
0x82: {  	s20 =	sadd.s32 $0x14, s20;
	s23 =	smov.u32 s14  }
0x83: {  	[tilespmem:s6], [sflag:$0x2] =	stream.linear.gather [hbm4b:s20+s3], $0x50, $0x38;
	[tilespmem:$0x1E640] =	vst v63  }
0x84: {  	s24 =	sadd.s32 s23, s18  }
0x85: {  	[tilespmem:s7], [sflag:$0x2] =	stream.linear.gather [hbm4b:s24+s3], $0x2800, $0x38;
	[tilespmem:$0x1E640] =	vst v63  }
0x86: {  	s17 =	sadd.s32 s23, s19  }
0x87: {  	[tilespmem:s8], [sflag:$0x2] =	stream.linear.gather [hbm4b:s17+s3], $0x2800, $0x38;
	[tilespmem:$0x1E640] =	vst v63  }
0x88: {  	_ =	swait.ge [sflag:s9], $0x50  }
0x89: {  	[sflag:s9] =	ssyncset.done $0x0  }
0x8a: {  	[sflag:s9] =	ssyncadd.s32 $0xFFFFFFB0  }
0x8b: {  	_ =	swait.ge [sflag:s9], $0x50  }
0x8c: {  	[sflag:s9] =	ssyncset.done $0x0  }
0x8d: {  	[sflag:s9] =	ssyncadd.s32 $0xFFFFFFB0  }
0x8e: {  	_ =	swait.ge [sflag:s9], $0x2800  }
0x8f: {  	[sflag:s9] =	ssyncset.done $0x0  }
0x90: {  	[sflag:s9] =	ssyncadd.s32 $0xFFFFD800  }
0x91: {  	_ =	swait.ge [sflag:s9], $0x2800  }
0x92: {  	[sflag:s9] =	ssyncset.done $0x0  }
0x93: {  	[sflag:s9] =	ssyncadd.s32 $0xFFFFD800  }
0x94: {  	[spmem:s1] =	stream.indirect.scatter.add.f32 [tilespmem:s31], [sflag:$0x3], $0x80, s29, s11, $0xb8;
	[tilespmem:$0x1E640] =	vst v63  }
0x95: {  	_ =	swait.ge [sflag:s28], $0x2800  }
0x96: {  	[sflag:s28] =	ssyncset.done $0x0  }
0x97: {  	[sflag:s28] =	ssyncadd.s32 $0xFFFFD800  }
0x98: {  	[spmem:s1] =	stream.indirect.scatter.add.f32 [tilespmem:s0], [sflag:$0x3], $0x80, s30, s11, $0xb8;
	[tilespmem:$0x1E640] =	vst v63  }
0x99: {  	s10 =	sadd.s32 $0xA0, s10;
	_ =	swait.ge [sflag:s28], $0x2800  }
0x9a: {  	s24 =	sshrl.u32 s10, $0x3;
	[sflag:s28] =	ssyncset.done $0x0  }
0x9b: {  	s25 =	sadd.s32 s4, s24;
	[sflag:s28] =	ssyncadd.s32 $0xFFFFD800  }
0x9c: {  	[tilespmem:s29], [sflag:$0x1] =	stream.linear.gather [hbm4b:s25+s3], $0x50, $0x38;
	[tilespmem:$0x1E640] =	vst v63  }
0x9d: {  	s24 =	sadd.s32 s5, s24;
	s17 =	rddreg [dreg:$0x3]  }
0x9e: {  	[tilespmem:s30], [sflag:$0x1] =	stream.linear.gather [hbm4b:s24+s3], $0x50, $0x38;
	[tilespmem:$0x1E640] =	vst v63  }
0x9f: {  	s17 =	sadd.s32 s23, s17;
	s25 =	rddreg [dreg:$0x4]  }
0xa0: {  	[tilespmem:s31], [sflag:$0x1] =	stream.linear.gather [hbm4b:s17+s3], $0x2800, $0x38;
	[tilespmem:$0x1E640] =	vst v63  }
0xa1: {  	s25 =	sadd.s32 s23, s25  }
0xa2: {  	[tilespmem:s0], [sflag:$0x1] =	stream.linear.gather [hbm4b:s25+s3], $0x2800, $0x38;
	[tilespmem:$0x1E640] =	vst v63  }
0xa3: {  	_ =	swait.ge [sflag:s12], $0x50  }
0xa4: {  	[sflag:s12] =	ssyncset.done $0x0  }
0xa5: {  	[sflag:s12] =	ssyncadd.s32 $0xFFFFFFB0  }
0xa6: {  	_ =	swait.ge [sflag:s12], $0x50  }
0xa7: {  	[sflag:s12] =	ssyncset.done $0x0  }
0xa8: {  	[sflag:s12] =	ssyncadd.s32 $0xFFFFFFB0  }
0xa9: {  	_ =	swait.ge [sflag:s12], $0x2800  }
0xaa: {  	[sflag:s12] =	ssyncset.done $0x0  }
0xab: {  	[sflag:s12] =	ssyncadd.s32 $0xFFFFD800  }
0xac: {  	_ =	swait.ge [sflag:s12], $0x2800  }
0xad: {  	[sflag:s12] =	ssyncset.done $0x0  }
0xae: {  	[sflag:s12] =	ssyncadd.s32 $0xFFFFD800  }
0xaf: {  	[spmem:s1] =	stream.indirect.scatter.add.f32 [tilespmem:s7], [sflag:$0x3], $0x80, s2, s11, $0xb8;
	[tilespmem:$0x1E640] =	vst v63  }
0xb0: {  	p0 =	sne.s32 s14, $0x26200;
	_ =	swait.ge [sflag:s28], $0x2800  }
.Ltmp2:
0xb1: {  	[sflag:s28] =	ssyncset.done $0x0;
	(pc) =	sbr.rel @p0 .LBB2_6-.Ltmp2, $4  }
0xb2: {  	[sflag:s28] =	ssyncadd.s32 $0xFFFFD800  }
0xb3: {  	[spmem:s1] =	stream.indirect.scatter.add.f32 [tilespmem:s8], [sflag:$0x3], $0x80, s6, s11, $0xb8;
	[tilespmem:$0x1E640] =	vst v63  }
0xb4: {  	_ =	swait.ge [sflag:s28], $0x2800  }
0xb5: {  	s14 =	sadd.s32 $0xA00, s14;
	s15 =	sadd.s32 $0x14, s15;
	[sflag:s28] =	ssyncset.done $0x0  }
0xb6: {  	[sflag:s28] =	ssyncadd.s32 $0xFFFFD800  }
0xb7: {  	_ =	swait.ge [sflag:s9], $0x50  }
0xb8: {  	[sflag:s9] =	ssyncset.done $0x0  }
0xb9: {  	[sflag:s9] =	ssyncadd.s32 $0xFFFFFFB0  }
0xba: {  	_ =	swait.ge [sflag:s9], $0x50  }
0xbb: {  	[sflag:s9] =	ssyncset.done $0x0  }
0xbc: {  	[sflag:s9] =	ssyncadd.s32 $0xFFFFFFB0  }
0xbd: {  	_ =	swait.ge [sflag:s9], $0x2800  }
0xbe: {  	[sflag:s9] =	ssyncset.done $0x0  }
0xbf: {  	[sflag:s9] =	ssyncadd.s32 $0xFFFFD800  }
0xc0: {  	_ =	swait.ge [sflag:s9], $0x2800  }
0xc1: {  	[sflag:s9] =	ssyncset.done $0x0  }
0xc2: {  	[sflag:s9] =	ssyncadd.s32 $0xFFFFD800  }
0xc3: {  	[spmem:s1] =	stream.indirect.scatter.add.f32 [tilespmem:s31], [sflag:$0x3], $0x80, s29, s11, $0xb8;
	[tilespmem:$0x1E640] =	vst v63  }
0xc4: {  	_ =	swait.ge [sflag:s28], $0x2800  }
0xc5: {  	[sflag:s28] =	ssyncset.done $0x0  }
0xc6: {  	[sflag:s28] =	ssyncadd.s32 $0xFFFFD800  }
0xc7: {  	[spmem:s1] =	stream.indirect.scatter.add.f32 [tilespmem:s0], [sflag:$0x3], $0x80, s30, s11, $0xb8;
	[tilespmem:$0x1E640] =	vst v63  }
0xc8: {  	_ =	swait.ge [sflag:s28], $0x2800  }
0xc9: {  	[sflag:s28] =	ssyncset.done $0x0  }
0xca: {  	s10 =	stileid.u32;
	[sflag:s28] =	ssyncadd.s32 $0xFFFFD800  }
0xcb: {  	s10 =	sshll.u32 s10, $0x6;
	[bflag:$0x0] =	sbarrier.arrive $0xFFFF  }
0xcc: {  	s14 =	sshrl.u32 s16, $0x3;
	s10 =	sor.u32 $0x1C03, s10;
	s15 =	rddreg [dreg:$0x6]  }
0xcd: {  	[hbm:s15], [sflag:s10] =	dma.local [spmem:s14], $0x7D0  }
0xce: {  	_ =	swait.ge [sflag:s28], $0x7D0  }
0xcf: {  	[sflag:s28] =	ssyncset.done $0x0;
	s20 =	rddreg [dreg:$0x7]  }
0xd0: {  	s23 =	rddreg [dreg:$0x10];
	[sflag:s28] =	ssyncadd.s32 $0xFFFFF830  }
0xd1: {  	[hbm:s20], [sflag:s10] =	dma.local [spmem:s23], $0x7D0  }
0xd2: {  	_ =	swait.ge [sflag:s28], $0x7D0  }
0xd3: {  	[sflag:s28] =	ssyncset.done $0x0;
	s24 =	rddreg [dreg:$0x8]  }
0xd4: {  	s25 =	rddreg [dreg:$0x11];
	[sflag:s28] =	ssyncadd.s32 $0xFFFFF830  }
0xd5: {  	[hbm:s24], [sflag:s10] =	dma.local [spmem:s25], $0x7D0  }
0xd6: {  	_ =	swait.ge [sflag:s28], $0x7D0  }
0xd7: {  	[sflag:s28] =	ssyncset.done $0x0;
	s17 =	rddreg [dreg:$0xa]  }
0xd8: {  	s20 =	rddreg [dreg:$0x12];
	[sflag:s28] =	ssyncadd.s32 $0xFFFFF830  }
0xd9: {  	[hbm:s17], [sflag:s10] =	dma.local [spmem:s20], $0x7D0  }
0xda: {  	_ =	swait.ge [sflag:s28], $0x7D0  }
0xdb: {  	[sflag:s28] =	ssyncset.done $0x0;
	s23 =	rddreg [dreg:$0xb]  }
0xdc: {  	s24 =	rddreg [dreg:$0x13];
	[sflag:s28] =	ssyncadd.s32 $0xFFFFF830  }
0xdd: {  	[hbm:s23], [sflag:s10] =	dma.local [spmem:s24], $0x7D0  }
0xde: {  	_ =	swait.ge [sflag:s28], $0x7D0  }
0xdf: {  	s13 =	sadd.s32 $0x1, s13;
	s25 =	rddreg [dreg:$0xf]  }
0xe0: {  	p0 =	sne.s32 s13, s25  }
.Ltmp3:
0xe1: {  	_ = 	snop;
	(pc) =	sbr.rel @p0 .LBB2_1-.Ltmp3, $3  }
0xe2: {  	_ =	sdelay $0x1  }
0xe3: {  	[sflag:s28] =	ssyncset.done $0x0  }
0xe4: {  	[sflag:s28] =	ssyncadd.s32 $0xFFFFF830  }
0xe5: {  	_ =	sfence.sel $0x180000  }
0xe6: {  	[bflag:$0x0] =	sbarrier.arrive $0xFFFF  }
0xe7: {  	_ =	strace $0x9000004A  }
0xe8: {  	s0 =	stileid.u32;
	[bflag:$0x2] =	sbarrier.arrive $0xFFFF  }
0xe9: {  	p0 =	sne.s32 s0, $0x0;
	s0 =	rddreg [dreg:$0x2]  }
0xea: {  	s0 =	sadd.s32 @!p0 $0x100000, s0  }
0xeb: {  	[sflag:s0] =	ssyncadd.tile.s32 @!p0 $0x1;
	_ =	shalt  }
.Lfunc_end2:
_tile_overlayer_lowered:
.L_overlay_start_2:
0xec: {  	(tag) =	ssettag $0x2  }
0xed: {  	s0 =	rddreg [dreg:$0x0];
	s2 =	stileid.u32  }
0xee: {  	s1 =	rddreg [dreg:$0x1];
	p0 =	sne.s32 s2, $0x0  }
0xef: {  	s3 =	rddreg [dreg:$0x2];
	[bflag:$0x3] =	sbarrier.arrive $0xFFFF;
	s2 =	simm.s32 @!p0 $0x1C03  }
0xf0: {  	[timem:s3], [sflag:s2] =	dma.local @!p0 [hbm:s0], s1  }
0xf1: {  	s0 =	simm.s32 @!p0 $0x3  }
0xf2: {  	_ =	swait.ge @!p0 [sflag:s0], s1  }
0xf3: {  	s1 =	ssub.s32 @!p0 $0x0, s1;
	[sflag:s0] =	ssyncset.done @!p0 $0x0  }
0xf4: {  	[sflag:s0] =	ssyncadd.s32 @!p0 s1  }
0xf5: {  	[bflag:$0x3] =	sbarrier.arrive $0xFFFF  }
0xf6: {  	_ =	shalt  }

// kernel: kernel.7.cloned.1.call-start
scs
__scs_entry_jumppad:
0x0: {  	(pc) =	sbr.rel $0x88, $3  }
0x1: {  	(tag) =	ssettag $0x0;
	lr =	simm.s32 $0x1  }
0x2: {  	[smem:$0x3F93] =	sst lr;
	_ =	strace $0xD0000000  }
0x3: {  	_ = 	snop  }
0x4: {  	_ = 	snop  }
0x5: {  	_ = 	snop  }
0x6: {  	_ = 	snop  }
0x7: {  	_ = 	snop  }
__scs_overlays_trampoline_lowered:
0x8: {  	[smem:$0x3FA2] =	sst s0  }
0x9: {  	[smem:$0x3FA3] =	sst s1  }
0xa: {  	[smem:$0x3FA4] =	sst s2  }
0xb: {  	[smem:$0x3FA5] =	sst s3  }
0xc: {  	[smem:$0x3FA6] =	sst s4  }
0xd: {  	[smem:$0x3FA7] =	sst s5  }
0xe: {  	[smem:$0x3FA8] =	sst s6  }
0xf: {  	[smem:$0x3FA9] =	sst s7  }
0x10: {  	[smem:$0x3FAA] =	sst s8  }
0x11: {  	[smem:$0x3FAB] =	sst s9;
	s0 =	simm.s32 @!p0 $0x0  }
0x12: {  	s1 =	sld [smem:$0x3F91];
	s0 =	simm.s32 @p0 $0x1  }
0x13: {  	[smem:$0x3FAC] =	sst s0;
	s0 =	simm.s32 @!p1 $0x0  }
0x14: {  	s2 =	sld [smem:$0x3F90];
	s0 =	simm.s32 @p1 $0x1  }
0x15: {  	[smem:$0x3FAD] =	sst s0;
	s0 =	simm.s32 @!p2 $0x0  }
0x16: {  	s3 =	sld [smem:$0x3FDB];
	s0 =	simm.s32 @p2 $0x1  }
0x17: {  	s4 =	simm.s32 $0x1BF5;
	[smem:$0x3FAF] =	sst s0  }
0x18: {  	s0 =	sld [smem:$0x3F92];
	_ =	swait.ge [sflag:s4], $0x0  }
0x19: {  	s7 =	sld [smem:$0x3F93]  }
0x1a: {  	s8 =	sadd.s32 $0xFFFFE003, lr  }
0x1b: {  	s9 =	sadd.s32 $0xFFFFFEF7, lr;
	s5 =	simm.s32 $0xFFFFFFFF;
	p2 =	slt.u32 s8, $0xFFFFF086  }
0x1c: {  	p1 =	slt.u32 s9, $0xF7A;
	s5 =	simm.s32 @!p2 $0x0  }
0x1d: {  	s5 =	simm.s32 @p1 $0x1;
	p0 =	seq.s32 s7, s2  }
0x1e: {  	s7 =	smul.u32 @!p0 $0xF7A, s2;
	p2 =	seq.s32 @!p0 s5, $0x0  }
0x1f: {  	s9 =	smul.u32 $0xF7A, s1;
	s8 =	simm.s32 @!p0 $0x1BF5;
	p2 =	por !p2, p0  }
0x20: {  	[sflag:s8] =	ssyncset.s32 @!p0 $0xFFFFF086;
	s6 =	sadd.s32 @!p0 s3, s7;
	s7 =	simm.s32 @!p0 $0x108  }
0x21: {  	s3 =	sadd.s32 s3, s9;
	s6 =	sadd.s32 @!p0 $0x88, s6;
	s7 =	simm.s32 @p2 $0x1082  }
0x22: {  	[simem:s7], [sflag:s8] =	dma.local @!p0 [hbm:s6], $0xF7A  }
0x23: {  	s9 =	sor.u32 $0xD0000000, s2;
	s6 =	simm.s32 $0x108;
	_ =	swait.ge @!p0 [sflag:s8], $0x0  }
0x24: {  	s3 =	sadd.s32 $0x88, s3;
	s6 =	simm.s32 @!p1 $0x1082;
	[sflag:s4] =	ssyncset.s32 $0xFFFFF086  }
0x25: {  	[simem:s6], [sflag:s4] =	dma.local [hbm:s3], $0xF7A  }
0x26: {  	[smem:$0x3F93] =	sst s1;
	(tag) =	ssettag s2;
	_ =	strace s9  }
0x27: {  	s1 =	sld [smem:$0x3FA3]  }
0x28: {  	s2 =	sld [smem:$0x3FA4]  }
0x29: {  	s4 =	sld [smem:$0x3FA6]  }
0x2a: {  	p0 =	seq.s32 s5, $0x0;
	s5 =	sld [smem:$0x3FA7]  }
0x2b: {  	s6 =	sld [smem:$0x3FA8]  }
0x2c: {  	s7 =	sld [smem:$0x3FA9]  }
0x2d: {  	s3 =	simm.s32 $0x108;
	s8 =	sld [smem:$0x3FAA]  }
0x2e: {  	s3 =	simm.s32 @!p0 $0x1082;
	s9 =	sld [smem:$0x3FAB]  }
0x2f: {  	lr =	sadd.s32 s0, s3;
	s0 =	sld [smem:$0x3FA2]  }
0x30: {  	s3 =	sld [smem:$0x3FA5]  }
0x31: {  	[smem:$0x3FAE] =	sst s10  }
0x32: {  	s10 =	sld [smem:$0x3FAC];
	_ =	sdelay $0x3  }
0x33: {  	p0 =	seq.s32 s10, $0x1;
	s10 =	sld [smem:$0x3FAE];
	_ =	sdelay $0x3  }
0x34: {  	[smem:$0x3FAE] =	sst s10  }
0x35: {  	s10 =	sld [smem:$0x3FAD];
	_ =	sdelay $0x3  }
0x36: {  	p1 =	seq.s32 s10, $0x1;
	s10 =	sld [smem:$0x3FAE];
	_ =	sdelay $0x3  }
0x37: {  	[smem:$0x3FAE] =	sst s10  }
0x38: {  	s10 =	sld [smem:$0x3FAF]  }
0x39: {  	_ = 	snop;
	(pc) =	sbr.ind lr, $3  }
0x3a: {  	_ = 	snop  }
0x3b: {  	_ = 	snop  }
0x3c: {  	p2 =	seq.s32 s10, $0x1;
	s10 =	sld [smem:$0x3FAE]  }
0x3d: {  	_ =	shalt  }
0x3e: {  	_ =	shalt  }
0x3f: {  	_ =	shalt  }
0x40: {  	_ =	shalt  }
0x41: {  	_ =	shalt  }
0x42: {  	_ =	shalt  }
0x43: {  	_ =	shalt  }
0x44: {  	_ =	shalt  }
0x45: {  	_ =	shalt  }
0x46: {  	_ =	shalt  }
0x47: {  	_ =	shalt  }
0x48: {  	_ =	shalt  }
0x49: {  	_ =	shalt  }
0x4a: {  	_ =	shalt  }
0x4b: {  	_ =	shalt  }
0x4c: {  	_ =	shalt  }
0x4d: {  	_ =	shalt  }
0x4e: {  	_ =	shalt  }
0x4f: {  	_ =	shalt  }
0x50: {  	_ =	shalt  }
0x51: {  	_ =	shalt  }
0x52: {  	_ =	shalt  }
0x53: {  	_ =	shalt  }
0x54: {  	_ =	shalt  }
0x55: {  	_ =	shalt  }
0x56: {  	_ =	shalt  }
0x57: {  	_ =	shalt  }
0x58: {  	_ =	shalt  }
0x59: {  	_ =	shalt  }
0x5a: {  	_ =	shalt  }
0x5b: {  	_ =	shalt  }
0x5c: {  	_ =	shalt  }
0x5d: {  	_ =	shalt  }
0x5e: {  	_ =	shalt  }
0x5f: {  	_ =	shalt  }
0x60: {  	_ =	shalt  }
0x61: {  	_ =	shalt  }
0x62: {  	_ =	shalt  }
0x63: {  	_ =	shalt  }
0x64: {  	_ =	shalt  }
0x65: {  	_ =	shalt  }
0x66: {  	_ =	shalt  }
0x67: {  	_ =	shalt  }
0x68: {  	_ =	shalt  }
0x69: {  	_ =	shalt  }
0x6a: {  	_ =	shalt  }
0x6b: {  	_ =	shalt  }
0x6c: {  	_ =	shalt  }
0x6d: {  	_ =	shalt  }
0x6e: {  	_ =	shalt  }
0x6f: {  	_ =	shalt  }
0x70: {  	_ =	shalt  }
0x71: {  	_ =	shalt  }
0x72: {  	_ =	shalt  }
0x73: {  	_ =	shalt  }
0x74: {  	_ =	shalt  }
0x75: {  	_ =	shalt  }
0x76: {  	_ =	shalt  }
0x77: {  	_ =	shalt  }
0x78: {  	_ =	shalt  }
0x79: {  	_ =	shalt  }
0x7a: {  	_ =	shalt  }
0x7b: {  	_ =	shalt  }
0x7c: {  	_ =	shalt  }
0x7d: {  	_ =	shalt  }
0x7e: {  	_ =	shalt  }
0x7f: {  	_ =	shalt  }
0x80: {  	_ =	shalt  }
0x81: {  	_ =	shalt  }
0x82: {  	_ =	shalt  }
0x83: {  	_ =	shalt  }
0x84: {  	_ =	shalt  }
0x85: {  	_ =	shalt  }
0x86: {  	_ =	shalt  }
0x87: {  	_ =	shalt  }
.Lfunc_end0:
.L_simem_size_0:
called_computation_lowered:
.L_overlay_start_0:
0x88: {  	s2 =	sld [smem:$0x3FD9]  }
0x89: {  	s3 =	sld [smem:$0x3FFE];
	_ =	sdelay $0x1  }
0x8a: {  	s1 =	srdreg.scid  }
0x8b: {  	s0 =	sand.u32 $0x1, s1  }
0x8c: {  	s17 =	sshll.u32 s0, $0xA;
	s2 =	sadd.s32 s3, s2  }
0x8d: {  	s2 =	sadd.s32 s2, s17  }
0x8e: {  	[smem:$0x3FBA] =	sst s2  }
0x8f: {  	_ = 	snop  }
0x90: {  	s2 =	sld [smem:$0x3FD0];
	(tm) =	ssettm $0x1  }
0x91: {  	s18 =	sld [smem:$0x3FFB];
	_ =	sdelay $0x3  }
0x92: {  	_ =	strace s18  }
0x93: {  	s3 =	sld [smem:$0x3FFC];
	_ =	sdelay $0x3  }
0x94: {  	_ =	strace s3  }
0x95: {  	s3 =	sld [smem:$0x3FFD];
	_ =	sdelay $0x3  }
0x96: {  	_ =	strace s3  }
0x97: {  	_ =	strace $0x8FFFFFFF  }
0x98: {  	s19 =	sld [smem:$0x3FDB];
	_ =	sdelay $0x1  }
0x99: {  	s4 =	simm.s32 $_scs_section_size  }
0x9a: {  	s5 =	simm.s32 $_size__tile_overlayer_lowered;
	s6 =	simm.s32 $_tile_overlayer_lowered  }
0x9b: {  	s22 =	simm.s32 $0x1BFF;
	s21 =	sshll.u32 s6, $0x1;
	s3 =	sadd.s32 s4, s19  }
0x9c: {  	s7 =	simm.s32 $0x0;
	s20 =	sshll.u32 s5, $0x1;
	s5 =	sadd.s32 s21, s3  }
0x9d: {  	[timem:s7], [sflag:s22] =	dma.local [hbm:s5], s20  }
0x9e: {  	_ =	swait.ge [sflag:s22], s20  }
0x9f: {  	s4 =	ssub.s32 $0x0, s20;
	[sflag:s22] =	ssyncset.done $0x0  }
0xa0: {  	[sflag:s22] =	ssyncadd.s32 s4;
	_ =	sdelay $0x1  }
0xa1: {  	s23 =	simm.s32 $0x1B8B  }
0xa2: {  	_ =	swait.ge [sflag:s23], $0x1  }
0xa3: {  	[sflag:s23] =	ssyncset.done $0x0  }
0xa4: {  	s25 =	simm.s32 $0x1B8E;
	s24 =	sld [smem:$0x3FFE];
	[sflag:s23] =	ssyncadd.s32 $0xFFFFFFFF  }
0xa5: {  	s26 =	simm.s32 $execute0_lowered;
	[smem:$0x3FD2] =	sst s25  }
0xa6: {  	s5 =	sshll.u32 s26, $0x1;
	_ =	strace $0x80000046;
	[dreg:$0x1] =	wrdreg $0xFFFFFFFF  }
0xa7: {  	s28 =	simm.s32 $_size_execute0_lowered;
	s3 =	sadd.s32 s3, s5;
	[dreg:$0x0] =	wrdreg $0x0  }
0xa8: {  	s5 =	sshll.u32 s28, $0x1;
	[dreg:$0x2] =	wrdreg s3  }
0xa9: {  	[dreg:$0x3] =	wrdreg s5  }
0xaa: {  	[dreg:$0x4] =	wrdreg $0xC0  }
0xab: {  	_ =	task [dreg:s7], $0x5FFFF  }
0xac: {  	[dreg:$0x1] =	wrdreg $0xFFFFFFFF  }
0xad: {  	[dreg:$0x0] =	wrdreg $0x60  }
0xae: {  	[dreg:$0x2] =	wrdreg s2  }
0xaf: {  	[dreg:$0x3] =	wrdreg s24  }
0xb0: {  	[dreg:$0x4] =	wrdreg $0x9  }
0xb1: {  	_ =	task.clear_ibuf [dreg:s7], $0x5FFFF;
	_ =	strace $0x90000046  }
0xb2: {  	s29 =	simm.s32 $0x9;
	_ =	strace $0x80000048  }
0xb3: {  	_ =	swait.ge [sflag:s29], $0x1  }
0xb4: {  	[sflag:s29] =	ssyncadd.s32 $0xFFFFFFFF  }
0xb5: {  	_ =	strace $0x90000048  }
0xb6: {  	_ =	sfence  }
0xb7: {  	s30 =	sld [smem:$0x0];
	_ =	sdelay $0x2  }
0xb8: {  	s31 =	sshll.u32 s1, $0xD;
	s1 =	sshrl.u32 s1, $0x2  }
0xb9: {  	s3 =	sand.u32 $0x4000, s31;
	s1 =	sadd.s32 s1, s30  }
0xba: {  	s0 =	sor.u32 s3, s0;
	s1 =	sshll.u32 s1, $0x11  }
0xbb: {  	s0 =	sor.u32 s1, s0  }
0xbc: {  	s0 =	sadd.s32 $0x8F2B, s0  }
0xbd: {  	[sflag:s0] =	ssyncadd.remote.s32 $0x1  }
0xbe: {  	_ =	sfence.sel $0xFFFF  }
0xbf: {  	[dreg:$0x0] =	wrdreg $0xFFFFFFFF;
	(pc) =	sbr.abs _section_cstart, $3  }
0xc0: {  	[dreg:$0x1] =	wrdreg $0xFFFFFFFF  }
0xc1: {  	_ =	task.clear_ibuf [dreg:s7], $0x2FFFF;
	_ =	strace $0x9FFFFFFF  }
0xc2: {  	(tm) =	ssettm $0x7FFFFFFF  }
0xc3: {  	_ =	shalt  }
tec
execute0_lowered:
.L_overlay_start_1:
0x0: {  	(tag) =	ssettag $0x1  }
0x1: {  	s28 =	rddreg [dreg:$0x0]  }
0x2: {  	s0 =	rddreg [dreg:$0x1];
	s2 =	simm.s32 $0x0  }
0x3: {  	s3 =	srdreg.scid;
	s1 =	stileid.u32;
	s10 =	simm.s32 $0x2940  }
0x4: {  	s13 =	simm.s32 $0x5140;
	s14 =	simm.s32 $0x7940;
	s11 =	simm.s32 $0x2  }
0x5: {  	s15 =	simm.s32 $0x3;
	[smem:$0x7FF] =	sst s2;
	s3 =	sand.u32 $0x1, s3  }
0x6: {  	s4 =	sadd.s32 $0x18600, s0;
	s29 =	sadd.s32 $0xE800, s0;
	s12 =	sadd.s32 $0x4A00, s0  }
0x7: {  	s5 =	sadd.s32 $0x27400, s0;
	s18 =	sadd.s32 $0x509400, s0;
	s6 =	sshll.u32 s3, $0x4  }
0x8: {  	_ =	strace $0x80000047;
	s3 =	ssub.s32 $0x2, s3;
	s7 =	sor.u32 s1, s6  }
0x9: {  	[dreg:$0x4] =	wrdreg s5;
	s19 =	sshrl.u32 s3, $0x1;
	s1 =	smul.u32 $0x2710, s7  }
0xa: {  	s8 =	sadd.s32 $0x1D600, s0;
	[dreg:$0xd] =	wrdreg s18;
	s20 =	ssub.s32 s3, s19  }
0xb: {  	s9 =	smov.u32 s8;
	s0 =	smax.u32 s20, $0x1;
	[dreg:$0x3] =	wrdreg s1  }
0xc: {  	s21 =	sshrl.u32 s1, $0x3;
	s24 =	sadd.s32 $0x50, s1;
	[dreg:$0xc] =	wrdreg s0  }
0xd: {  	s23 =	sadd.s32 $0x26C0, s1;
	s1 =	sadd.s32 $0xA0, s1;
	[dreg:$0x7] =	wrdreg s24  }
0xe: {  	s19 =	simm.s32 $0x5;
	s22 =	sadd.s32 s29, s21;
	[dreg:$0x8] =	wrdreg s1  }
0xf: {  	s3 =	sadd.s32 s12, s21;
	s25 =	sshll.u32 s23, $0x4;
	[dreg:$0x5] =	wrdreg s22  }
0x10: {  	s20 =	simm.s32 $0x50;
	[dreg:$0x6] =	wrdreg s3;
	s26 =	sadd.s32 s5, s25  }
0x11: {  	s30 =	sadd.s32 s18, s25;
	s3 =	sshrl.u32 s23, $0x3;
	[dreg:$0x9] =	wrdreg s26  }
0x12: {  	s0 =	simm.s32 $0x1;
	[dreg:$0xa] =	wrdreg s30;
	s31 =	sadd.s32 s8, s3  }
0x13: {  	v0 =	vlaneseq.u32;
	s5 =	simm.s32 $0x140;
	s3 =	simm.s32 $0x0;
	[dreg:$0xb] =	wrdreg s31  }
.LBB2_1:
0x14: {  	[dreg:$0xe] =	wrdreg s3  }
0x15: {  	s1 =	rddreg [dreg:$0x5]  }
0x16: {  	[tilespmem:s2], [sflag:$0x5] =	stream.linear.gather [hbm4b:s1+s2], $0x50, $0x38;
	[tilespmem:$0xB5E0] =	vst v63  }
0x17: {  	_ =	swait.ge [sflag:s19], $0x50  }
0x18: {  	[sflag:s19] =	ssyncset.done $0x0  }
0x19: {  	s26 =	rddreg [dreg:$0x6];
	[sflag:s19] =	ssyncadd.s32 $0xFFFFFFB0  }
0x1a: {  	[tilespmem:s20], [sflag:$0x5] =	stream.linear.gather [hbm4b:s26+s2], $0x50, $0x38;
	[tilespmem:$0xB5E0] =	vst v63  }
0x1b: {  	_ =	swait.ge [sflag:s19], $0x50  }
0x1c: {  	[sflag:s19] =	ssyncset.done $0x0  }
0x1d: {  	[sflag:s19] =	ssyncadd.s32 $0xFFFFFFB0  }
0x1e: {  	[tilespmem:s5], [sflag:$0x1] =	stream.indirect.gather [hbm4b:s28+s20], $0x80, s20, s20, $0xb8;
	[tilespmem:$0xB5E0] =	vst v63  }
0x1f: {  	_ = 	snop  }
0x20: {  	[tilespmem:s10], [sflag:$0x1] =	stream.indirect.gather [hbm4b:s28+s20], $0x80, s2, s20, $0xb8;
	[tilespmem:$0xB5E0] =	vst v63  }
0x21: {  	s30 =	simm.s32 $0xA140  }
0x22: {  	[tilespmem:s30], [sflag:$0x1] =	stream.indirect.gather [hbm4b:s4+s20], $0x10, s2, s20, $0xb8;
	[tilespmem:$0xB5E0] =	vst v63  }
0x23: {  	s31 =	simm.s32 $0xA640;
	s18 =	simm.s32 $0x0  }
0x24: {  	[tilespmem:s31], [sflag:$0x1] =	stream.indirect.gather [hbm4b:s4+s20], $0x10, s20, s20, $0xb8;
	[tilespmem:$0xB5E0] =	vst v63  }
.LBB2_2:
0x25: {  	p0 =	seq.s32 s18, $0x0  }
0x26: {  	s3 =	simm.s32 @!p0 $0x4  }
0x27: {  	_ =	swait.ge @!p0 [sflag:s3], $0x2800  }
0x28: {  	[sflag:s3] =	ssyncset.done @!p0 $0x0  }
0x29: {  	[sflag:s3] =	ssyncadd.s32 @!p0 $0xFFFFD800  }
0x2a: {  	_ =	swait.ge @!p0 [sflag:s3], $0x2800  }
0x2b: {  	[sflag:s3] =	ssyncset.done @!p0 $0x0  }
0x2c: {  	[sflag:s3] =	ssyncadd.s32 @!p0 $0xFFFFD800  }
0x2d: {  	s16 =	smul.u32 $0xA0, s18;
	_ =	swait.ge @!p0 [sflag:s3], $0x50  }
0x2e: {  	s1 =	rddreg [dreg:$0x7]  }
0x2f: {  	s30 =	sadd.s32 s16, s1  }
0x30: {  	s31 =	simm.s32 $0x0;
	[sflag:s3] =	ssyncset.done @!p0 $0x0;
	s17 =	sshrl.u32 s30, $0x3  }
0x31: {  	s25 =	simm.s32 $0xA0;
	[sflag:s3] =	ssyncadd.s32 @!p0 $0xFFFFFFB0;
	s24 =	sadd.s32 s29, s17  }
0x32: {  	[tilespmem:s25], [sflag:$0x5] =	stream.linear.gather [hbm4b:s24+s31], $0x50, $0x38;
	[tilespmem:$0xB5E0] =	vst v63  }
0x33: {  	_ =	swait.ge [sflag:s19], $0x50  }
0x34: {  	[sflag:s19] =	ssyncset.done $0x0  }
0x35: {  	s7 =	simm.s32 $0xF0;
	s26 =	sadd.s32 s12, s17;
	[sflag:s19] =	ssyncadd.s32 $0xFFFFFFB0  }
0x36: {  	[tilespmem:s7], [sflag:$0x5] =	stream.linear.gather [hbm4b:s26+s31], $0x50, $0x38;
	[tilespmem:$0xB5E0] =	vst v63  }
0x37: {  	_ =	swait.ge [sflag:s19], $0x50  }
0x38: {  	[sflag:s19] =	ssyncset.done $0x0  }
0x39: {  	[sflag:s19] =	ssyncadd.s32 $0xFFFFFFB0  }
0x3a: {  	[tilespmem:s13], [sflag:$0x2] =	stream.indirect.gather [hbm4b:s28+s20], $0x80, s7, s20, $0xb8;
	[tilespmem:$0xB5E0] =	vst v63  }
0x3b: {  	_ = 	snop  }
0x3c: {  	[tilespmem:s14], [sflag:$0x2] =	stream.indirect.gather [hbm4b:s28+s20], $0x80, s25, s20, $0xb8;
	[tilespmem:$0xB5E0] =	vst v63  }
0x3d: {  	s5 =	smov.u32 s28;
	s28 =	simm.s32 $0xAB40  }
0x3e: {  	[tilespmem:s28], [sflag:$0x2] =	stream.indirect.gather [hbm4b:s4+s20], $0x10, s25, s20, $0xb8;
	[tilespmem:$0xB5E0] =	vst v63  }
0x3f: {  	s6 =	smov.u32 s29;
	s29 =	simm.s32 $0xB040  }
0x40: {  	[tilespmem:s29], [sflag:$0x2] =	stream.indirect.gather [hbm4b:s4+s20], $0x10, s7, s20, $0xb8;
	[tilespmem:$0xB5E0] =	vst v63  }
0x41: {  	_ =	swait.ge [sflag:s0], $0x2800  }
0x42: {  	[sflag:s0] =	ssyncset.done $0x0  }
0x43: {  	[sflag:s0] =	ssyncadd.s32 $0xFFFFD800  }
0x44: {  	_ =	swait.ge [sflag:s0], $0x2800  }
0x45: {  	[sflag:s0] =	ssyncset.done $0x0  }
0x46: {  	[sflag:s0] =	ssyncadd.s32 $0xFFFFD800  }
0x47: {  	_ =	swait.ge [sflag:s0], $0x500  }
0x48: {  	[sflag:s0] =	ssyncset.done $0x0  }
0x49: {  	[sflag:s0] =	ssyncadd.s32 $0xFFFFFB00  }
0x4a: {  	s10 =	simm.s32 $0x140;
	_ =	swait.ge [sflag:s0], $0x500  }
0x4b: {  	s8 =	smov.u32 s12;
	s23 =	simm.s32 $0xA140;
	[sflag:s0] =	ssyncset.done $0x0  }
0x4c: {  	s12 =	simm.s32 $0xA640;
	s24 =	simm.s32 $0x0;
	[sflag:s0] =	ssyncadd.s32 $0xFFFFFB00  }
.LBB2_3:
0x4d: {  	v1 =	vld [tilespmem:s23+$0x0]  }
0x4e: {  	v2 =	vld [tilespmem:s12+$0x0];
	_ =	sdelay $0x4  }
0x4f: {  	v1 =	vsub.f32 v1, v2;
	_ =	sdelay $0x1  }
0x50: {  	v1 =	vmul.f32 v1, v1;
	_ =	sdelay $0x1  }
0x51: {  	s7 =	sadd.s32 $0x10, s12;
	(v2sf) =	vpush v1, $0x0  }
0x52: {  	s3 =	sadd.s32 $0x10, s23;
	v3 =	vld [tilespmem:s7+$0x0];
	(v2sf) =	vpush v1, $0x1  }
0x53: {  	v2 =	vld [tilespmem:s3+$0x0]  }
0x54: {  	s7 =	sadd.s32 $0x10, s7;
	(v2sf) =	vpush v1, $0x2  }
0x55: {  	v4 =	vld [tilespmem:s7+$0x0];
	s3 =	sadd.s32 $0x10, s3  }
0x56: {  	v1 =	vld [tilespmem:s3+$0x0]  }
0x57: {  	s21 =	sadd.s32 $0x10, s7  }
0x58: {  	v5 =	vld [tilespmem:s21+$0x0];
	v2 =	vsub.f32 v2, v3;
	s3 =	sadd.s32 $0x10, s3  }
0x59: {  	v3 =	vld [tilespmem:s3+$0x0]  }
0x5a: {  	v2 =	vmul.f32 v2, v2  }
0x5b: {  	v1 =	vsub.f32 v1, v4  }
0x5c: {  	(v2sf) =	vpush v2, $0x0  }
0x5d: {  	(v2sf) =	vpush v2, $0x1;
	v1 =	vmul.f32 v1, v1  }
0x5e: {  	(v2sf) =	vpush v2, $0x2;
	v2 =	vsub.f32 v3, v5  }
0x5f: {  	(v2sf) =	vpush v1, $0x0  }
0x60: {  	v2 =	vmul.f32 v2, v2;
	s22 =	spop (v2sf);
	(v2sf) =	vpush v1, $0x1  }
0x61: {  	s28 =	spop (v2sf);
	(v2sf) =	vpush v1, $0x2  }
0x62: {  	(v2sf) =	vpush v2, $0x0  }
0x63: {  	s26 =	spop (v2sf);
	(v2sf) =	vpush v2, $0x1;
	_ =	sdelay $0x2  }
0x64: {  	s25 =	sadd.s32 $0x10, s3  }
0x65: {  	s29 =	sadd.s32 $0x10, s21;
	v3 =	vld [tilespmem:s25+$0x0]  }
0x66: {  	v5 =	vld [tilespmem:s29+$0x0]  }
0x67: {  	s14 =	simm.s32 $0x1;
	s28 =	sadd.f32 s28, s22  }
0x68: {  	s13 =	simm.s32 $0x2;
	s7 =	simm.s32 $0x3;
	s21 =	simm.s32 $0x5  }
0x69: {  	s3 =	simm.s32 $0x4;
	v4 =	vmov s31;
	v1 =	vimm.f32 $0.0e+00;
	s22 =	sadd.s32 $0x10, s25;
	s28 =	sadd.f32 s28, s26  }
.LBB2_4:
0x6a: {  	s29 =	sadd.s32 $0x10, s29;
	s25 =	smov.u32 s13;
	s13 =	smov.u32 s7  }
0x6b: {  	v6 =	vsub.f32 v3, v5;
	v3 =	vld [tilespmem:s22+$0x0];
	vm0 =	veq.s32 v4, v0;
	s7 =	smov.u32 s3;
	s3 =	smov.u32 s21;
	p0 =	sne.s32 s21, $0xF  }
.Ltmp0:
0x6c: {  	v5 =	vld [tilespmem:s29+$0x0];
	(v2sf) =	vpush v2, $0x2;
	s26 =	spop (v2sf);
	v1 =	vsel vm0, s28, v1;
	(pc) =	sbr.rel @p0 .LBB2_4-.Ltmp0, $4  }
0x6d: {  	s21 =	sadd.s32 $0x1, s21;
	v2 =	vmul.f32 v6, v6;
	s28 =	spop (v2sf)  }
0x6e: {  	s26 =	sadd.f32 s28, s26  }
0x6f: {  	(v2sf) =	vpush v2, $0x0;
	s28 =	spop (v2sf)  }
0x70: {  	s22 =	sadd.s32 $0x10, s22;
	v4 =	vmov s14;
	s14 =	smov.u32 s25;
	(v2sf) =	vpush v2, $0x1;
	s28 =	sadd.f32 s26, s28  }
0x71: {  	v3 =	vsub.f32 v3, v5;
	_ =	sdelay $0x1  }
0x72: {  	v3 =	vmul.f32 v3, v3  }
0x73: {  	(v2sf) =	vpush v2, $0x2  }
0x74: {  	(v2sf) =	vpush v3, $0x0  }
0x75: {  	(v2sf) =	vpush v3, $0x1;
	_ =	sdelay $0x1  }
0x76: {  	(v2sf) =	vpush v3, $0x2;
	_ =	sdelay $0x2  }
0x77: {  	s21 =	spop (v2sf)  }
0x78: {  	s22 =	spop (v2sf)  }
0x79: {  	s25 =	spop (v2sf)  }
0x7a: {  	s26 =	spop (v2sf)  }
0x7b: {  	s21 =	sadd.f32 s22, s21;
	s29 =	spop (v2sf)  }
0x7c: {  	s1 =	spop (v2sf)  }
0x7d: {  	s21 =	sadd.f32 s21, s25;
	s22 =	spop (v2sf)  }
0x7e: {  	s26 =	sadd.f32 s29, s26;
	s29 =	spop (v2sf)  }
0x7f: {  	v2 =	vmov s14;
	vm0 =	veq.s32 v4, v0;
	s25 =	spop (v2sf);
	s14 =	sadd.f32 s29, s22  }
0x80: {  	v1 =	vsel vm0, s28, v1;
	s28 =	sshll.u32 s24, $0x4;
	s1 =	sadd.f32 s26, s1;
	s26 =	spop (v2sf)  }
0x81: {  	s24 =	sadd.s32 $0x1, s24;
	s14 =	sadd.f32 s14, s25;
	s29 =	spop (v2sf)  }
0x82: {  	vm12 =	veq.s32 v2, v0;
	p0 =	sne.s32 s24, $0x5;
	v3 =	vmov s13;
	s22 =	sadd.f32 s29, s26  }
.Ltmp1:
0x83: {  	v2 =	vmov s7;
	v1 =	vsel vm12, s21, v1;
	vm13 =	veq.s32 v3, v0;
	s25 =	spop (v2sf);
	(pc) =	sbr.rel @p0 .LBB2_3-.Ltmp1, $4  }
0x84: {  	vm14 =	veq.s32 v2, v0;
	v2 =	vmov s3;
	v1 =	vsel vm13, s1, v1;
	s26 =	sadd.f32 s22, s25  }
0x85: {  	vm15 =	veq.s32 v2, v0;
	v1 =	vsel vm14, s14, v1  }
0x86: {  	s29 =	sand.u32 $0x3FFFFFF0, s28;
	v1 =	vsel vm15, s26, v1  }
0x87: {  	s12 =	sadd.s32 $0x100, s12;
	s23 =	sadd.s32 $0x100, s23;
	[tilespmem:s29+$0xB540] =	vst v1  }
0x88: {  	s1 =	rddreg [dreg:$0x3]  }
0x89: {  	s1 =	sadd.s32 s1, s16  }
0x8a: {  	s7 =	rddreg [dreg:$0x4];
	s3 =	sshll.u32 s1, $0x4  }
0x8b: {  	s31 =	simm.s32 $0x0;
	s28 =	rddreg [dreg:$0xd];
	s7 =	sadd.s32 s7, s3  }
0x8c: {  	[hbm4b:s7+s31] =	stream.linear.scatter [tilespmem:s10], [sflag:$0x3], $0x2800, $0x38;
	[tilespmem:$0xB5E0] =	vst v63  }
0x8d: {  	s1 =	sshrl.u32 s1, $0x3;
	s3 =	sadd.s32 s28, s3;
	s10 =	simm.s32 $0x2940  }
0x8e: {  	[hbm4b:s3+s31] =	stream.linear.scatter [tilespmem:s10], [sflag:$0x3], $0x2800, $0x38;
	[tilespmem:$0xB5E0] =	vst v63  }
0x8f: {  	s29 =	simm.s32 $0xB540;
	s1 =	sadd.s32 s9, s1  }
0x90: {  	[hbm4b:s1+s31] =	stream.linear.scatter [tilespmem:s29], [sflag:$0x3], $0x50, $0x38;
	[tilespmem:$0xB5E0] =	vst v63  }
0x91: {  	_ =	swait.ge [sflag:s11], $0x2800  }
0x92: {  	[sflag:s11] =	ssyncset.done $0x0  }
0x93: {  	[sflag:s11] =	ssyncadd.s32 $0xFFFFD800  }
0x94: {  	_ =	swait.ge [sflag:s11], $0x2800  }
0x95: {  	[sflag:s11] =	ssyncset.done $0x0  }
0x96: {  	[sflag:s11] =	ssyncadd.s32 $0xFFFFD800  }
0x97: {  	_ =	swait.ge [sflag:s11], $0x500  }
0x98: {  	[sflag:s11] =	ssyncset.done $0x0  }
0x99: {  	[sflag:s11] =	ssyncadd.s32 $0xFFFFFB00  }
0x9a: {  	_ =	swait.ge [sflag:s11], $0x500  }
0x9b: {  	s12 =	simm.s32 $0xB040;
	[sflag:s11] =	ssyncset.done $0x0  }
0x9c: {  	s23 =	simm.s32 $0xAB40;
	s24 =	simm.s32 $0x0;
	[sflag:s11] =	ssyncadd.s32 $0xFFFFFB00  }
.LBB2_7:
0x9d: {  	v1 =	vld [tilespmem:s23+$0x0]  }
0x9e: {  	v2 =	vld [tilespmem:s12+$0x0];
	_ =	sdelay $0x4  }
0x9f: {  	v1 =	vsub.f32 v1, v2;
	_ =	sdelay $0x1  }
0xa0: {  	v1 =	vmul.f32 v1, v1;
	_ =	sdelay $0x1  }
0xa1: {  	s3 =	sadd.s32 $0x10, s12;
	(v2sf) =	vpush v1, $0x0  }
0xa2: {  	s1 =	sadd.s32 $0x10, s23;
	v3 =	vld [tilespmem:s3+$0x0];
	(v2sf) =	vpush v1, $0x1  }
0xa3: {  	v2 =	vld [tilespmem:s1+$0x0]  }
0xa4: {  	s3 =	sadd.s32 $0x10, s3;
	(v2sf) =	vpush v1, $0x2  }
0xa5: {  	v4 =	vld [tilespmem:s3+$0x0];
	s1 =	sadd.s32 $0x10, s1  }
0xa6: {  	v1 =	vld [tilespmem:s1+$0x0]  }
0xa7: {  	s21 =	sadd.s32 $0x10, s3  }
0xa8: {  	v5 =	vld [tilespmem:s21+$0x0];
	v2 =	vsub.f32 v2, v3;
	s1 =	sadd.s32 $0x10, s1  }
0xa9: {  	v3 =	vld [tilespmem:s1+$0x0]  }
0xaa: {  	v2 =	vmul.f32 v2, v2  }
0xab: {  	v1 =	vsub.f32 v1, v4  }
0xac: {  	(v2sf) =	vpush v2, $0x0  }
0xad: {  	(v2sf) =	vpush v2, $0x1;
	v1 =	vmul.f32 v1, v1  }
0xae: {  	(v2sf) =	vpush v2, $0x2;
	v2 =	vsub.f32 v3, v5  }
0xaf: {  	(v2sf) =	vpush v1, $0x0  }
0xb0: {  	v2 =	vmul.f32 v2, v2;
	s26 =	spop (v2sf);
	(v2sf) =	vpush v1, $0x1  }
0xb1: {  	s22 =	spop (v2sf);
	(v2sf) =	vpush v1, $0x2  }
0xb2: {  	(v2sf) =	vpush v2, $0x0  }
0xb3: {  	s25 =	sadd.f32 s22, s26;
	s26 =	spop (v2sf);
	(v2sf) =	vpush v2, $0x1  }
0xb4: {  	_ =	sdelay $0x1  }
0xb5: {  	s1 =	sadd.s32 $0x10, s1  }
0xb6: {  	s29 =	sadd.s32 $0x10, s21;
	v3 =	vld [tilespmem:s1+$0x0]  }
0xb7: {  	v5 =	vld [tilespmem:s29+$0x0]  }
0xb8: {  	s14 =	simm.s32 $0x1  }
0xb9: {  	s13 =	simm.s32 $0x2;
	s7 =	simm.s32 $0x3;
	s3 =	simm.s32 $0x4  }
0xba: {  	s21 =	simm.s32 $0x5;
	v4 =	vmov s31;
	v1 =	vimm.f32 $0.0e+00;
	s22 =	sadd.s32 $0x10, s1;
	s28 =	sadd.f32 s25, s26  }
.LBB2_8:
0xbb: {  	s29 =	sadd.s32 $0x10, s29;
	s1 =	smov.u32 s13;
	s13 =	smov.u32 s7  }
0xbc: {  	v6 =	vsub.f32 v3, v5;
	v3 =	vld [tilespmem:s22+$0x0];
	vm0 =	veq.s32 v4, v0;
	s7 =	smov.u32 s3;
	s3 =	smov.u32 s21;
	p0 =	sne.s32 s21, $0xF  }
.Ltmp2:
0xbd: {  	v5 =	vld [tilespmem:s29+$0x0];
	(v2sf) =	vpush v2, $0x2;
	s25 =	spop (v2sf);
	v1 =	vsel vm0, s28, v1;
	(pc) =	sbr.rel @p0 .LBB2_8-.Ltmp2, $4  }
0xbe: {  	s21 =	sadd.s32 $0x1, s21;
	v2 =	vmul.f32 v6, v6;
	s26 =	spop (v2sf)  }
0xbf: {  	s25 =	sadd.f32 s26, s25  }
0xc0: {  	(v2sf) =	vpush v2, $0x0;
	s26 =	spop (v2sf)  }
0xc1: {  	s22 =	sadd.s32 $0x10, s22;
	v4 =	vmov s14;
	s14 =	smov.u32 s1;
	(v2sf) =	vpush v2, $0x1;
	s28 =	sadd.f32 s25, s26  }
0xc2: {  	v3 =	vsub.f32 v3, v5;
	_ =	sdelay $0x1  }
0xc3: {  	v3 =	vmul.f32 v3, v3  }
0xc4: {  	(v2sf) =	vpush v2, $0x2  }
0xc5: {  	(v2sf) =	vpush v3, $0x0  }
0xc6: {  	(v2sf) =	vpush v3, $0x1;
	_ =	sdelay $0x1  }
0xc7: {  	(v2sf) =	vpush v3, $0x2;
	_ =	sdelay $0x2  }
0xc8: {  	s1 =	spop (v2sf)  }
0xc9: {  	s21 =	spop (v2sf)  }
0xca: {  	s22 =	spop (v2sf)  }
0xcb: {  	s25 =	spop (v2sf)  }
0xcc: {  	s1 =	sadd.f32 s21, s1;
	s26 =	spop (v2sf)  }
0xcd: {  	s29 =	spop (v2sf)  }
0xce: {  	s1 =	sadd.f32 s1, s22;
	s21 =	spop (v2sf)  }
0xcf: {  	s25 =	sadd.f32 s26, s25;
	s26 =	spop (v2sf)  }
0xd0: {  	v2 =	vmov s14;
	vm0 =	veq.s32 v4, v0;
	s22 =	spop (v2sf);
	s14 =	sadd.f32 s26, s21  }
0xd1: {  	v1 =	vsel vm0, s28, v1;
	s28 =	sshll.u32 s24, $0x4;
	s25 =	sadd.f32 s25, s29;
	s29 =	spop (v2sf)  }
0xd2: {  	s24 =	sadd.s32 $0x1, s24;
	s22 =	sadd.f32 s14, s22;
	s26 =	spop (v2sf)  }
0xd3: {  	vm12 =	veq.s32 v2, v0;
	p0 =	sne.s32 s24, $0x5;
	v3 =	vmov s13;
	s21 =	sadd.f32 s26, s29  }
.Ltmp3:
0xd4: {  	v2 =	vmov s7;
	v1 =	vsel vm12, s1, v1;
	vm13 =	veq.s32 v3, v0;
	s26 =	spop (v2sf);
	(pc) =	sbr.rel @p0 .LBB2_7-.Ltmp3, $4  }
0xd5: {  	vm14 =	veq.s32 v2, v0;
	v2 =	vmov s3;
	v1 =	vsel vm13, s25, v1;
	s7 =	sadd.f32 s21, s26  }
0xd6: {  	vm15 =	veq.s32 v2, v0;
	v1 =	vsel vm14, s22, v1  }
0xd7: {  	s29 =	sand.u32 $0x3FFFFFF0, s28;
	v1 =	vsel vm15, s7, v1  }
0xd8: {  	s12 =	sadd.s32 $0x100, s12;
	s23 =	sadd.s32 $0x100, s23;
	[tilespmem:s29+$0xB590] =	vst v1  }
0xd9: {  	s1 =	sshll.u32 s30, $0x4  }
0xda: {  	s3 =	rddreg [dreg:$0x4];
	s1 =	sand.u32 $0x1FFFFF00, s1  }
0xdb: {  	s13 =	simm.s32 $0x5140;
	s22 =	rddreg [dreg:$0xd];
	s3 =	sadd.s32 s3, s1  }
0xdc: {  	[hbm4b:s3+s2] =	stream.linear.scatter [tilespmem:s13], [sflag:$0x4], $0x2800, $0x38;
	[tilespmem:$0xB5E0] =	vst v63  }
0xdd: {  	s14 =	simm.s32 $0x7940;
	s1 =	sadd.s32 s22, s1  }
0xde: {  	[hbm4b:s1+s2] =	stream.linear.scatter [tilespmem:s14], [sflag:$0x4], $0x2800, $0x38;
	[tilespmem:$0xB5E0] =	vst v63  }
0xdf: {  	s23 =	sadd.s32 s9, s17;
	s24 =	simm.s32 $0xB590  }
0xe0: {  	[hbm4b:s23+s2] =	stream.linear.scatter [tilespmem:s24], [sflag:$0x4], $0x50, $0x38;
	[tilespmem:$0xB5E0] =	vst v63  }
0xe1: {  	_ =	swait.ge [sflag:s15], $0x2800  }
0xe2: {  	[sflag:s15] =	ssyncset.done $0x0  }
0xe3: {  	[sflag:s15] =	ssyncadd.s32 $0xFFFFD800  }
0xe4: {  	_ =	swait.ge [sflag:s15], $0x2800  }
0xe5: {  	[sflag:s15] =	ssyncset.done $0x0  }
0xe6: {  	[sflag:s15] =	ssyncadd.s32 $0xFFFFD800  }
0xe7: {  	_ =	swait.ge [sflag:s15], $0x50  }
0xe8: {  	s25 =	rddreg [dreg:$0x8]  }
0xe9: {  	s1 =	sadd.s32 s16, s25  }
0xea: {  	[sflag:s15] =	ssyncset.done $0x0;
	s1 =	sshrl.u32 s1, $0x3  }
0xeb: {  	[sflag:s15] =	ssyncadd.s32 $0xFFFFFFB0;
	s26 =	sadd.s32 s6, s1  }
0xec: {  	[tilespmem:s2], [sflag:$0x5] =	stream.linear.gather [hbm4b:s26+s2], $0x50, $0x38;
	[tilespmem:$0xB5E0] =	vst v63  }
0xed: {  	_ =	swait.ge [sflag:s19], $0x50  }
0xee: {  	[sflag:s19] =	ssyncset.done $0x0  }
0xef: {  	s1 =	sadd.s32 s8, s1;
	[sflag:s19] =	ssyncadd.s32 $0xFFFFFFB0  }
0xf0: {  	[tilespmem:s20], [sflag:$0x5] =	stream.linear.gather [hbm4b:s1+s2], $0x50, $0x38;
	[tilespmem:$0xB5E0] =	vst v63  }
0xf1: {  	_ =	swait.ge [sflag:s19], $0x50  }
0xf2: {  	s28 =	smov.u32 s5;
	[sflag:s19] =	ssyncset.done $0x0  }
0xf3: {  	s5 =	simm.s32 $0x140;
	s18 =	sadd.s32 $0x1, s18;
	[sflag:s19] =	ssyncadd.s32 $0xFFFFFFB0  }
0xf4: {  	[tilespmem:s5], [sflag:$0x1] =	stream.indirect.gather [hbm4b:s28+s20], $0x80, s20, s20, $0xb8;
	[tilespmem:$0xB5E0] =	vst v63  }
0xf5: {  	p0 =	sne.s32 s18, $0x3E  }
0xf6: {  	[tilespmem:s10], [sflag:$0x1] =	stream.indirect.gather [hbm4b:s28+s20], $0x80, s2, s20, $0xb8;
	[tilespmem:$0xB5E0] =	vst v63  }
.Ltmp4:
0xf7: {  	_ = 	snop;
	(pc) =	sbr.rel @p0 .LBB2_2-.Ltmp4, $4  }
0xf8: {  	s30 =	simm.s32 $0xA140  }
0xf9: {  	[tilespmem:s30], [sflag:$0x1] =	stream.indirect.gather [hbm4b:s4+s20], $0x10, s2, s20, $0xb8;
	[tilespmem:$0xB5E0] =	vst v63  }
0xfa: {  	s29 =	smov.u32 s6;
	s12 =	smov.u32 s8;
	s31 =	simm.s32 $0xA640  }
0xfb: {  	[tilespmem:s31], [sflag:$0x1] =	stream.indirect.gather [hbm4b:s4+s20], $0x10, s20, s20, $0xb8;
	[tilespmem:$0xB5E0] =	vst v63  }
0xfc: {  	s1 =	simm.s32 $0x4  }
0xfd: {  	_ =	swait.ge [sflag:s1], $0x2800  }
0xfe: {  	[sflag:s1] =	ssyncset.done $0x0  }
0xff: {  	[sflag:s1] =	ssyncadd.s32 $0xFFFFD800  }
0x100: {  	_ =	swait.ge [sflag:s1], $0x2800  }
0x101: {  	[sflag:s1] =	ssyncset.done $0x0  }
0x102: {  	[sflag:s1] =	ssyncadd.s32 $0xFFFFD800  }
0x103: {  	_ =	swait.ge [sflag:s1], $0x50  }
0x104: {  	[sflag:s1] =	ssyncset.done $0x0  }
0x105: {  	[sflag:s1] =	ssyncadd.s32 $0xFFFFFFB0  }
0x106: {  	_ =	swait.ge [sflag:s0], $0x2800  }
0x107: {  	[sflag:s0] =	ssyncset.done $0x0  }
0x108: {  	[sflag:s0] =	ssyncadd.s32 $0xFFFFD800  }
0x109: {  	_ =	swait.ge [sflag:s0], $0x2800  }
0x10a: {  	[sflag:s0] =	ssyncset.done $0x0  }
0x10b: {  	[sflag:s0] =	ssyncadd.s32 $0xFFFFD800  }
0x10c: {  	_ =	swait.ge [sflag:s0], $0x500  }
0x10d: {  	[sflag:s0] =	ssyncset.done $0x0  }
0x10e: {  	[sflag:s0] =	ssyncadd.s32 $0xFFFFFB00  }
0x10f: {  	_ =	swait.ge [sflag:s0], $0x500  }
0x110: {  	s16 =	simm.s32 $0x0;
	s12 =	simm.s32 $0xA640;
	[sflag:s0] =	ssyncset.done $0x0  }
0x111: {  	s17 =	simm.s32 $0xA140;
	s18 =	simm.s32 $0x0;
	[sflag:s0] =	ssyncadd.s32 $0xFFFFFB00  }
.LBB2_12:
0x112: {  	v1 =	vld [tilespmem:s17+$0x0]  }
0x113: {  	v2 =	vld [tilespmem:s12+$0x0];
	_ =	sdelay $0x4  }
0x114: {  	v1 =	vsub.f32 v1, v2;
	_ =	sdelay $0x1  }
0x115: {  	v1 =	vmul.f32 v1, v1;
	_ =	sdelay $0x1  }
0x116: {  	s3 =	sadd.s32 $0x10, s12;
	(v2sf) =	vpush v1, $0x0  }
0x117: {  	s1 =	sadd.s32 $0x10, s17;
	v3 =	vld [tilespmem:s3+$0x0];
	(v2sf) =	vpush v1, $0x1  }
0x118: {  	v2 =	vld [tilespmem:s1+$0x0]  }
0x119: {  	s3 =	sadd.s32 $0x10, s3;
	(v2sf) =	vpush v1, $0x2  }
0x11a: {  	v4 =	vld [tilespmem:s3+$0x0];
	s1 =	sadd.s32 $0x10, s1  }
0x11b: {  	v1 =	vld [tilespmem:s1+$0x0]  }
0x11c: {  	s21 =	sadd.s32 $0x10, s3  }
0x11d: {  	v5 =	vld [tilespmem:s21+$0x0];
	v2 =	vsub.f32 v2, v3;
	s1 =	sadd.s32 $0x10, s1  }
0x11e: {  	v3 =	vld [tilespmem:s1+$0x0]  }
0x11f: {  	v2 =	vmul.f32 v2, v2  }
0x120: {  	v1 =	vsub.f32 v1, v4  }
0x121: {  	(v2sf) =	vpush v2, $0x0  }
0x122: {  	(v2sf) =	vpush v2, $0x1;
	v1 =	vmul.f32 v1, v1  }
0x123: {  	(v2sf) =	vpush v2, $0x2;
	v2 =	vsub.f32 v3, v5  }
0x124: {  	(v2sf) =	vpush v1, $0x0  }
0x125: {  	v2 =	vmul.f32 v2, v2;
	s31 =	spop (v2sf);
	(v2sf) =	vpush v1, $0x1  }
0x126: {  	s22 =	spop (v2sf);
	(v2sf) =	vpush v1, $0x2  }
0x127: {  	(v2sf) =	vpush v2, $0x0  }
0x128: {  	s25 =	spop (v2sf);
	(v2sf) =	vpush v2, $0x1;
	_ =	sdelay $0x2  }
0x129: {  	s1 =	sadd.s32 $0x10, s1  }
0x12a: {  	s24 =	sadd.s32 $0x10, s21;
	v3 =	vld [tilespmem:s1+$0x0]  }
0x12b: {  	v5 =	vld [tilespmem:s24+$0x0]  }
0x12c: {  	s14 =	simm.s32 $0x1;
	s23 =	sadd.f32 s22, s31  }
0x12d: {  	s13 =	simm.s32 $0x2;
	s7 =	simm.s32 $0x3;
	s3 =	simm.s32 $0x4  }
0x12e: {  	s21 =	simm.s32 $0x5;
	v4 =	vmov s16;
	v1 =	vimm.f32 $0.0e+00;
	s22 =	sadd.s32 $0x10, s1;
	s23 =	sadd.f32 s23, s25  }
.LBB2_13:
0x12f: {  	s24 =	sadd.s32 $0x10, s24;
	s1 =	smov.u32 s13;
	s13 =	smov.u32 s7  }
0x130: {  	v6 =	vsub.f32 v3, v5;
	v3 =	vld [tilespmem:s22+$0x0];
	vm0 =	veq.s32 v4, v0;
	s7 =	smov.u32 s3;
	s3 =	smov.u32 s21;
	p0 =	sne.s32 s21, $0xF  }
.Ltmp5:
0x131: {  	v5 =	vld [tilespmem:s24+$0x0];
	(v2sf) =	vpush v2, $0x2;
	s25 =	spop (v2sf);
	v1 =	vsel vm0, s23, v1;
	(pc) =	sbr.rel @p0 .LBB2_13-.Ltmp5, $4  }
0x132: {  	s21 =	sadd.s32 $0x1, s21;
	v2 =	vmul.f32 v6, v6;
	s23 =	spop (v2sf)  }
0x133: {  	s23 =	sadd.f32 s23, s25  }
0x134: {  	(v2sf) =	vpush v2, $0x0;
	s25 =	spop (v2sf)  }
0x135: {  	s22 =	sadd.s32 $0x10, s22;
	v4 =	vmov s14;
	s14 =	smov.u32 s1;
	(v2sf) =	vpush v2, $0x1;
	s23 =	sadd.f32 s23, s25  }
0x136: {  	v3 =	vsub.f32 v3, v5;
	_ =	sdelay $0x1  }
0x137: {  	v3 =	vmul.f32 v3, v3  }
0x138: {  	(v2sf) =	vpush v2, $0x2  }
0x139: {  	(v2sf) =	vpush v3, $0x0  }
0x13a: {  	(v2sf) =	vpush v3, $0x1;
	_ =	sdelay $0x2  }
0x13b: {  	(v2sf) =	vpush v3, $0x2;
	_ =	sdelay $0x1  }
0x13c: {  	s1 =	spop (v2sf)  }
0x13d: {  	s21 =	spop (v2sf)  }
0x13e: {  	s22 =	spop (v2sf)  }
0x13f: {  	s24 =	spop (v2sf)  }
0x140: {  	s25 =	spop (v2sf)  }
0x141: {  	s26 =	spop (v2sf)  }
0x142: {  	s1 =	sadd.f32 s21, s1;
	s31 =	spop (v2sf)  }
0x143: {  	s24 =	sadd.f32 s25, s24;
	s6 =	spop (v2sf)  }
0x144: {  	s1 =	sadd.f32 s1, s22;
	s22 =	spop (v2sf)  }
0x145: {  	s24 =	sadd.f32 s24, s26;
	s30 =	spop (v2sf)  }
0x146: {  	vm0 =	veq.s32 v4, v0;
	s31 =	sadd.f32 s6, s31;
	s6 =	spop (v2sf)  }
0x147: {  	v2 =	vmov s14;
	v1 =	vsel vm0, s23, v1;
	s23 =	sadd.f32 s6, s30;
	s30 =	sshll.u32 s18, $0x4;
	s18 =	sadd.s32 $0x1, s18  }
0x148: {  	vm12 =	veq.s32 v2, v0;
	v3 =	vmov s13;
	s25 =	sadd.f32 s31, s22;
	p0 =	sne.s32 s18, $0x5  }
.Ltmp6:
0x149: {  	v2 =	vmov s7;
	v1 =	vsel vm12, s1, v1;
	vm13 =	veq.s32 v3, v0;
	s26 =	spop (v2sf);
	(pc) =	sbr.rel @p0 .LBB2_12-.Ltmp6, $4  }
0x14a: {  	vm14 =	veq.s32 v2, v0;
	v2 =	vmov s3;
	v1 =	vsel vm13, s24, v1;
	s7 =	sadd.f32 s23, s26  }
0x14b: {  	vm15 =	veq.s32 v2, v0;
	v1 =	vsel vm14, s25, v1  }
0x14c: {  	s31 =	sand.u32 $0x3FFFFFF0, s30;
	v1 =	vsel vm15, s7, v1  }
0x14d: {  	s12 =	sadd.s32 $0x100, s12;
	s17 =	sadd.s32 $0x100, s17;
	[tilespmem:s31+$0xB540] =	vst v1  }
0x14e: {  	s1 =	rddreg [dreg:$0x9]  }
0x14f: {  	[hbm4b:s1+s2] =	stream.linear.scatter [tilespmem:s5], [sflag:$0x3], $0x2800, $0x38;
	[tilespmem:$0xB5E0] =	vst v63  }
0x150: {  	s25 =	rddreg [dreg:$0xa]  }
0x151: {  	[hbm4b:s25+s2] =	stream.linear.scatter [tilespmem:s10], [sflag:$0x3], $0x2800, $0x38;
	[tilespmem:$0xB5E0] =	vst v63  }
0x152: {  	s26 =	rddreg [dreg:$0xb];
	s3 =	simm.s32 $0xB540  }
0x153: {  	[hbm4b:s26+s2] =	stream.linear.scatter [tilespmem:s3], [sflag:$0x3], $0x50, $0x38;
	[tilespmem:$0xB5E0] =	vst v63  }
0x154: {  	_ =	swait.ge [sflag:s15], $0x2800  }
0x155: {  	[sflag:s15] =	ssyncset.done $0x0  }
0x156: {  	[sflag:s15] =	ssyncadd.s32 $0xFFFFD800  }
0x157: {  	_ =	swait.ge [sflag:s15], $0x2800  }
0x158: {  	[sflag:s15] =	ssyncset.done $0x0  }
0x159: {  	[sflag:s15] =	ssyncadd.s32 $0xFFFFD800  }
0x15a: {  	_ =	swait.ge [sflag:s15], $0x50  }
0x15b: {  	s30 =	rddreg [dreg:$0xe]  }
0x15c: {  	s31 =	rddreg [dreg:$0xc];
	s3 =	sadd.s32 $0x1, s30  }
0x15d: {  	p0 =	sne.s32 s3, s31  }
.Ltmp7:
0x15e: {  	_ = 	snop;
	(pc) =	sbr.rel @p0 .LBB2_1-.Ltmp7, $3  }
0x15f: {  	_ =	sdelay $0x1  }
0x160: {  	s12 =	smov.u32 s8;
	[sflag:s15] =	ssyncset.done $0x0  }
0x161: {  	s13 =	simm.s32 $0x5140;
	s14 =	simm.s32 $0x7940;
	[sflag:s15] =	ssyncadd.s32 $0xFFFFFFB0  }
0x162: {  	_ =	sfence.sel $0x180000  }
0x163: {  	[bflag:$0x0] =	sbarrier.arrive $0xFFFF  }
0x164: {  	_ =	strace $0x90000047  }
0x165: {  	s0 =	stileid.u32;
	[bflag:$0x2] =	sbarrier.arrive $0xFFFF  }
0x166: {  	p0 =	sne.s32 s0, $0x0;
	s0 =	rddreg [dreg:$0x2]  }
0x167: {  	s0 =	sadd.s32 @!p0 $0x100000, s0  }
0x168: {  	[sflag:s0] =	ssyncadd.tile.s32 @!p0 $0x1;
	_ =	shalt  }
.Lfunc_end2:
_tile_overlayer_lowered:
.L_overlay_start_2:
0x169: {  	(tag) =	ssettag $0x2  }
0x16a: {  	s0 =	rddreg [dreg:$0x0];
	s2 =	stileid.u32  }
0x16b: {  	s1 =	rddreg [dreg:$0x1];
	p0 =	sne.s32 s2, $0x0  }
0x16c: {  	s3 =	rddreg [dreg:$0x2];
	[bflag:$0x3] =	sbarrier.arrive $0xFFFF;
	s2 =	simm.s32 @!p0 $0x1C05  }
0x16d: {  	[timem:s3], [sflag:s2] =	dma.local @!p0 [hbm:s0], s1  }
0x16e: {  	s0 =	simm.s32 @!p0 $0x5  }
0x16f: {  	_ =	swait.ge @!p0 [sflag:s0], s1  }
0x170: {  	s1 =	ssub.s32 @!p0 $0x0, s1;
	[sflag:s0] =	ssyncset.done @!p0 $0x0  }
0x171: {  	[sflag:s0] =	ssyncadd.s32 @!p0 s1  }
0x172: {  	[bflag:$0x3] =	sbarrier.arrive $0xFFFF  }
0x173: {  	_ =	shalt  }

</sc_bundles>
